<compile_context>
chip_gen: v7x
topology: tpu7x:2x2x1
jax: 0.10.2.dev20260603
libtpu: 0.0.44.dev20260713+nightly
codegen_flags: <defaults>
</compile_context>

<pallas_src>
import jax
import jax.numpy as jnp
from jax import lax
from jax.experimental import pallas as pl
from jax.experimental.pallas import tpu as pltpu
from jax.experimental.pallas import tpu_sc as plsc

N = 10000
E = 320000
D = 128
H = 8
HD = 16
T = 5
NEG_SLOPE = 0.2

NTILES = 32
K = 100
E_PER_TILE = E // NTILES
N_CHUNKS = E_PER_TILE // K
NPAD = 10240
ROWS_PER_SUB = NPAD // 16

BLK = 1000
GRID = N // BLK


def _phase1_body(x_ref, nt_ref, wbig_ref, wres_ref, bres_ref,
                 outs_ref, outr_ref, res_ref):
    xb = x_ref[...]
    nt = nt_ref[0]
    acc = jnp.zeros((BLK, D + 2 * HD), dtype=jnp.float32)
    for t in range(T):
        y = jnp.dot(xb, wbig_ref[t], preferred_element_type=jnp.float32)
        acc = acc + jnp.where(nt == t, y, 0.0)
    outs_ref[...] = acc[:, : D + HD]
    outr_ref[...] = acc[:, D + HD:]
    res_ref[...] = (jnp.dot(xb, wres_ref[...], preferred_element_type=jnp.float32)
                    + bres_ref[...])


def _sc_body(tabs_ref, tabr_ref, src2_ref, dst2_ref, zacc_ref,
             acc_out,
             sv0, sv1, dv0, dv1, rs0, rs1, rr0, rr1,
             acc_sh, sg0, sg1):
    cid = lax.axis_index("c")
    sid = lax.axis_index("s")
    wid = cid * 16 + sid

    r0 = sid * ROWS_PER_SUB
    pltpu.sync_copy(zacc_ref.at[pl.ds(r0, ROWS_PER_SUB)],
                    acc_sh.at[pl.ds(r0, ROWS_PER_SUB)])
    c0 = wid * N_CHUNKS
    plsc.subcore_barrier()

    sv = (sv0, sv1)
    dv = (dv0, dv1)
    rs = (rs0, rs1)
    rr = (rr0, rr1)
    sg = (sg0, sg1)

    def issue_gather(it, b):
        pltpu.sync_copy(src2_ref.at[c0 + it], sv[b])
        pltpu.sync_copy(dst2_ref.at[c0 + it], dv[b])
        pltpu.async_copy(tabs_ref.at[sv[b]], rs[b], sg[b])
        pltpu.async_copy(tabr_ref.at[dv[b]], rr[b], sg[b])

    def wait_gather(b):
        pltpu.make_async_copy(tabs_ref.at[sv[b]], rs[b], sg[b]).wait()
        pltpu.make_async_copy(tabr_ref.at[dv[b]], rr[b], sg[b]).wait()

    issue_gather(0, 0)

    def pair(p, carry):
        for b in range(2):
            it = 2 * p + b

            @pl.when(it + 1 < N_CHUNKS)
            def _():
                issue_gather(it + 1, 1 - b)

            wait_gather(b)

            @plsc.parallel_loop(0, K, 1, unroll=4)
            def _(i):
                a = rs[b][i, pl.ds(D, HD)] + rr[b][i, :]
                a = jnp.where(a >= 0.0, a, a * NEG_SLOPE)
                e16 = jnp.exp(a)
                for k in range(H):
                    rs[b][i, pl.ds(HD * k, HD)] = (
                        rs[b][i, pl.ds(HD * k, HD)] * e16)
                rs[b][i, pl.ds(D, HD)] = e16

            pltpu.sync_copy(rs[b], acc_sh.at[dv[b]], add=True)
        return carry

    lax.fori_loop(0, N_CHUNKS // 2, pair, 0)
    plsc.subcore_barrier()

    pltpu.sync_copy(acc_sh.at[pl.ds(r0, ROWS_PER_SUB)],
                    acc_out.at[cid, pl.ds(r0, ROWS_PER_SUB)])


def _phase3_body(acc_ref, res_ref, out_ref):
    a = acc_ref[0] + acc_ref[1]
    agg = a[:, :D]
    s = a[:, D:]
    inv = jnp.where(s > 0.0, 1.0 / s, 0.0)
    inv128 = jnp.concatenate([inv] * (D // HD), axis=1)
    out_ref[...] = agg * inv128 + res_ref[...]


def kernel(x, edge_index, ntype, etype, W, Al, Ar, Wres, bres):
    del etype
    f32 = jnp.float32
    x = x.astype(f32)

    alvec = Al.astype(f32).sum(axis=2)
    arvec = Ar.astype(f32).sum(axis=2)
    W4 = W.astype(f32).reshape(T, D, H, HD)
    wl = jnp.einsum('tdhk,tk->tdh', W4, alvec)
    wr = jnp.einsum('tdhk,tk->tdh', W4, arvec)
    wl2 = jnp.concatenate([wl, wl], axis=2)
    wr2 = jnp.concatenate([wr, wr], axis=2)
    wperm = W4.transpose(0, 1, 3, 2).reshape(T, D, D)
    wbig = jnp.concatenate([wperm, wl2, wr2], axis=2)

    ntype3 = ntype.astype(jnp.int32).reshape(GRID, BLK, 1)
    bres2 = bres.astype(f32).reshape(1, D)

    tab_s, tab_r, res = pl.pallas_call(
        _phase1_body,
        grid=(GRID,),
        in_specs=[
            pl.BlockSpec((BLK, D), lambda i: (i, 0)),
            pl.BlockSpec((1, BLK, 1), lambda i: (i, 0, 0)),
            pl.BlockSpec((T, D, D + 2 * HD), lambda i: (0, 0, 0)),
            pl.BlockSpec((D, D), lambda i: (0, 0)),
            pl.BlockSpec((1, D), lambda i: (0, 0)),
        ],
        out_specs=[
            pl.BlockSpec((BLK, D + HD), lambda i: (i, 0)),
            pl.BlockSpec((BLK, HD), lambda i: (i, 0)),
            pl.BlockSpec((BLK, D), lambda i: (i, 0)),
        ],
        out_shape=[
            jax.ShapeDtypeStruct((N, D + HD), f32),
            jax.ShapeDtypeStruct((N, HD), f32),
            jax.ShapeDtypeStruct((N, D), f32),
        ],
    )(x, ntype3, wbig, Wres.astype(f32), bres2)

    src = edge_index[0].astype(jnp.int32).reshape(E // K, K)
    dst = edge_index[1].astype(jnp.int32).reshape(E // K, K)
    zacc = jnp.zeros((NPAD, D + HD), f32)

    sc_fn = pl.kernel(
        _sc_body,
        out_type=jax.ShapeDtypeStruct((2, NPAD, D + HD), f32),
        mesh=plsc.VectorSubcoreMesh(core_axis_name="c", subcore_axis_name="s"),
        compiler_params=pltpu.CompilerParams(use_tc_tiling_on_sc=False),
        scratch_types=(
            [pltpu.VMEM((K,), jnp.int32)] * 4
            + [pltpu.VMEM((K, D + HD), f32)] * 2
            + [pltpu.VMEM((K, HD), f32)] * 2
            + [pltpu.VMEM_SHARED((NPAD, D + HD), f32)]
            + [pltpu.SemaphoreType.DMA] * 2
        ),
    )
    acc2 = sc_fn(tab_s, tab_r, src, dst, zacc)

    out = pl.pallas_call(
        _phase3_body,
        grid=(GRID,),
        in_specs=[
            pl.BlockSpec((2, BLK, D + HD), lambda i: (0, i, 0)),
            pl.BlockSpec((BLK, D), lambda i: (i, 0)),
        ],
        out_specs=pl.BlockSpec((BLK, D), lambda i: (i, 0)),
        out_shape=jax.ShapeDtypeStruct((N, D), f32),
    )(acc2, res)
    return out

# --- scband reference (transcript-rebuilt; emitter-appended) ---
"""Pipeline reference for scband-het-sannconv-22479858827461 (READ-ONLY COPY).

The authoritative reference and input builder live on the scoring server;
editing this copy changes nothing except your own understanding.
"""

import jax, jax.numpy as jnp
import numpy as np

N = 10000
E = 320000
D = 128
H = 8
HD = 16
T = 5
NEG_SLOPE = 0.2


def typed_linear(x, W, types):
    # x: [n, in], W: [T, in, out], types: [n] -> [n, out]
    outs = jnp.einsum('ni,tio->tno', x, W)
    return outs[types, jnp.arange(x.shape[0])]


def setup_inputs(seed: int = 0):
    key = jax.random.key(seed)
    ks = jax.random.split(key, 10)
    x = jax.random.normal(ks[0], (N, D), dtype=jnp.float32)
    edge_index = jax.random.randint(ks[1], (2, E), 0, N)
    ntype = jax.random.randint(ks[2], (N,), 0, T)
    etype = jax.random.randint(ks[3], (E,), 0, T)
    W = jax.random.normal(ks[4], (T, D, H * HD), dtype=jnp.float32) * 0.05
    Al = jax.random.normal(ks[5], (T, HD, HD), dtype=jnp.float32) * 0.05
    Ar = jax.random.normal(ks[6], (T, HD, HD), dtype=jnp.float32) * 0.05
    Wres = jax.random.normal(ks[7], (D, H * HD), dtype=jnp.float32) * 0.05
    bres = jnp.zeros((H * HD,), dtype=jnp.float32)
    return {"x": x, "edge_index": edge_index, "ntype": ntype, "etype": etype,
            "W": W, "Al": Al, "Ar": Ar, "Wres": Wres, "bres": bres}


def reference(x, edge_index, ntype, etype, W, Al, Ar, Wres, bres):
    n = x.shape[0]
    # typed input projection (dropout rate is 0.0 and its output is discarded in the original code)
    feat = typed_linear(x, W, ntype)                     # [N, H*HD]
    h = feat.reshape(n, H, HD)
    src = edge_index[0]
    dst = edge_index[1]
    # typed attention projections; node types are repeated per head (node-major flattening)
    types_rep = jnp.repeat(ntype, H)
    h_flat = h.reshape(-1, HD)
    h_l = typed_linear(h_flat, Al, types_rep).reshape(n, H, HD).sum(axis=-1)  # [N, H]
    h_r = typed_linear(h_flat, Ar, types_rep).reshape(n, H, HD).sum(axis=-1)  # [N, H]
    att = h_l[src] + h_r[dst]                            # [E, H]
    att = jnp.where(att >= 0, att, NEG_SLOPE * att)      # LeakyReLU
    # edge softmax over incoming edges of each dst node
    m = jax.ops.segment_max(att, dst, num_segments=n)
    e = jnp.exp(att - m[dst])
    s = jax.ops.segment_sum(e, dst, num_segments=n)
    alpha = e / s[dst]                                   # [E, H]
    # message passing: u_mul_e with h permuted to [N, HD, H]
    hp = jnp.transpose(h, (0, 2, 1))                     # [N, HD, H]
    msg = hp[src] * alpha[:, None, :]                    # [E, HD, H]
    agg = jax.ops.segment_sum(msg, dst, num_segments=n)  # [N, HD, H]
    h_output = agg.reshape(n, HD * H)
    # residual
    res = x @ Wres + bres
    h_output = h_output + res
    # activation is None -> skipped
    return h_output

if __name__ == "__main__":
    import jax
    _d = setup_inputs()
    print(jax.jit(kernel)(*tuple(_d.values())))

</pallas_src>

<mosaic_0001>
#map = affine_map<(d0, d1) -> (0, 0)>
#map1 = affine_map<(d0, d1) -> (0, 0, 0)>
module attributes {stable_mosaic.version = 14 : i64} {
  func.func @_sc_body(%arg0: i32, %arg1: i32, %arg2: memref<10000x144xf32, #tpu.memory_space<hbm>>, %arg3: memref<10000x16xf32, #tpu.memory_space<hbm>>, %arg4: memref<3200x100xi32, #tpu.memory_space<hbm>>, %arg5: memref<3200x100xi32, #tpu.memory_space<hbm>>, %arg6: memref<10240x144xf32, #tpu.memory_space<hbm>>, %arg7: memref<2x10240x144xf32, #tpu.memory_space<hbm>>, %arg8: memref<100xi32, #tpu.memory_space<vmem>>, %arg9: memref<100xi32, #tpu.memory_space<vmem>>, %arg10: memref<100xi32, #tpu.memory_space<vmem>>, %arg11: memref<100xi32, #tpu.memory_space<vmem>>, %arg12: memref<100x144xf32, #tpu.memory_space<vmem>>, %arg13: memref<100x144xf32, #tpu.memory_space<vmem>>, %arg14: memref<100x16xf32, #tpu.memory_space<vmem>>, %arg15: memref<100x16xf32, #tpu.memory_space<vmem>>, %arg16: memref<10240x144xf32, #tpu.memory_space<vmem_shared>>, %arg17: memref<!tpu.dma_semaphore, #tpu.memory_space<semaphore_mem>>, %arg18: memref<!tpu.dma_semaphore, #tpu.memory_space<semaphore_mem>>) attributes {dimension_semantics = [#tpu.dimension_semantics<core_parallel>, #tpu.dimension_semantics<subcore_parallel>], iteration_bounds = array<i64: 2, 16>, scalar_prefetch = 0 : i64, scratch_operands = 11 : i64, tpu.core_type = #tpu.core_type<sc_vector_subcore>, window_params = [{transform_indices = #map}, {transform_indices = #map}, {transform_indices = #map}, {transform_indices = #map}, {transform_indices = #map}, {transform_indices = #map1}]} {
    %mul3A = arith.constant 16 : i32
    %mul3A_0 = arith.muli %arg0, %mul3A : i32
    %add3A = arith.addi %mul3A_0, %arg1 : i32
    %mul3A_1 = arith.constant 640 : i32
    %mul3A_2 = arith.muli %arg1, %mul3A_1 : i32
    "tpu.region"() ({
      %run_scoped3A = tpu.sem_alloc : memref<!tpu.dma_semaphore, #tpu.memory_space<semaphore_mem>>
      %dma_start3A_20 = arith.constant 0 : i32
      %dma_start3A_21 = tpu.memref_slice %arg16[%mul3A_2, %dma_start3A_20] : memref<10240x144xf32, #tpu.memory_space<vmem_shared>> -> memref<640x144xf32, #tpu.memory_space<vmem_shared>>
      %dma_start3A_22 = arith.constant 0 : i32
      %dma_start3A_23 = tpu.memref_slice %arg6[%mul3A_2, %dma_start3A_22] : memref<10240x144xf32, #tpu.memory_space<hbm>> -> memref<640x144xf32, #tpu.memory_space<hbm>>
      tpu.enqueue_dma source(%dma_start3A_23 : memref<640x144xf32, #tpu.memory_space<hbm>>) target(%dma_start3A_21 : memref<640x144xf32, #tpu.memory_space<vmem_shared>>) target_semaphore(%run_scoped3A : memref<!tpu.dma_semaphore, #tpu.memory_space<semaphore_mem>>)
      %dma_wait3A = arith.constant 0 : i32
      %dma_wait3A_24 = tpu.memref_slice %arg16[%mul3A_2, %dma_wait3A] : memref<10240x144xf32, #tpu.memory_space<vmem_shared>> -> memref<640x144xf32, #tpu.memory_space<vmem_shared>>
      %dma_wait3A_25 = arith.constant 0 : i32
      %dma_wait3A_26 = tpu.memref_slice %arg6[%mul3A_2, %dma_wait3A_25] : memref<10240x144xf32, #tpu.memory_space<hbm>> -> memref<640x144xf32, #tpu.memory_space<hbm>>
      tpu.wait_dma2 semaphore(%run_scoped3A : memref<!tpu.dma_semaphore, #tpu.memory_space<semaphore_mem>>) src(%dma_wait3A_26 : memref<640x144xf32, #tpu.memory_space<hbm>>) dst(%dma_wait3A_24 : memref<640x144xf32, #tpu.memory_space<vmem_shared>>)
      tpu.yield
    }) : () -> ()
    %mul3A_3 = arith.constant 100 : i32
    %mul3A_4 = arith.muli %add3A, %mul3A_3 : i32
    %barrier3A = arith.constant 0 : index
    tpu.barrier barrier_id(%barrier3A)
    %add3A_5 = arith.constant 0 : i32
    %add3A_6 = arith.addi %mul3A_4, %add3A_5 : i32
    "tpu.region"() ({
      %run_scoped3A = tpu.sem_alloc : memref<!tpu.dma_semaphore, #tpu.memory_space<semaphore_mem>>
      %dma_start3A_20 = arith.constant 0 : i32
      %dma_start3A_21 = tpu.memref_slice %arg4[%add3A_6, %dma_start3A_20] : memref<3200x100xi32, #tpu.memory_space<hbm>> -> memref<1x100xi32, #tpu.memory_space<hbm>>
      %dma_start3A_22 = tpu.memref_squeeze %dma_start3A_21 : memref<1x100xi32, #tpu.memory_space<hbm>> -> memref<100xi32, #tpu.memory_space<hbm>>
      %dma_start3A_23 = arith.constant 0 : i32
      %dma_start3A_24 = tpu.memref_slice %arg4[%add3A_6, %dma_start3A_23] : memref<3200x100xi32, #tpu.memory_space<hbm>> -> memref<1x100xi32, #tpu.memory_space<hbm>>
      %dma_start3A_25 = tpu.memref_squeeze %dma_start3A_24 : memref<1x100xi32, #tpu.memory_space<hbm>> -> memref<100xi32, #tpu.memory_space<hbm>>
      tpu.enqueue_dma source(%dma_start3A_25 : memref<100xi32, #tpu.memory_space<hbm>>) target(%arg8 : memref<100xi32, #tpu.memory_space<vmem>>) target_semaphore(%run_scoped3A : memref<!tpu.dma_semaphore, #tpu.memory_space<semaphore_mem>>)
      %dma_wait3A = arith.constant 0 : i32
      %dma_wait3A_26 = tpu.memref_slice %arg4[%add3A_6, %dma_wait3A] : memref<3200x100xi32, #tpu.memory_space<hbm>> -> memref<1x100xi32, #tpu.memory_space<hbm>>
      %dma_wait3A_27 = tpu.memref_squeeze %dma_wait3A_26 : memref<1x100xi32, #tpu.memory_space<hbm>> -> memref<100xi32, #tpu.memory_space<hbm>>
      %dma_wait3A_28 = arith.constant 0 : i32
      %dma_wait3A_29 = tpu.memref_slice %arg4[%add3A_6, %dma_wait3A_28] : memref<3200x100xi32, #tpu.memory_space<hbm>> -> memref<1x100xi32, #tpu.memory_space<hbm>>
      %dma_wait3A_30 = tpu.memref_squeeze %dma_wait3A_29 : memref<1x100xi32, #tpu.memory_space<hbm>> -> memref<100xi32, #tpu.memory_space<hbm>>
      tpu.wait_dma2 semaphore(%run_scoped3A : memref<!tpu.dma_semaphore, #tpu.memory_space<semaphore_mem>>) src(%dma_wait3A_30 : memref<100xi32, #tpu.memory_space<hbm>>) dst(%arg8 : memref<100xi32, #tpu.memory_space<vmem>>)
      tpu.yield
    }) : () -> ()
    %add3A_7 = arith.constant 0 : i32
    %add3A_8 = arith.addi %mul3A_4, %add3A_7 : i32
    "tpu.region"() ({
      %run_scoped3A = tpu.sem_alloc : memref<!tpu.dma_semaphore, #tpu.memory_space<semaphore_mem>>
      %dma_start3A_20 = arith.constant 0 : i32
      %dma_start3A_21 = tpu.memref_slice %arg5[%add3A_8, %dma_start3A_20] : memref<3200x100xi32, #tpu.memory_space<hbm>> -> memref<1x100xi32, #tpu.memory_space<hbm>>
      %dma_start3A_22 = tpu.memref_squeeze %dma_start3A_21 : memref<1x100xi32, #tpu.memory_space<hbm>> -> memref<100xi32, #tpu.memory_space<hbm>>
      %dma_start3A_23 = arith.constant 0 : i32
      %dma_start3A_24 = tpu.memref_slice %arg5[%add3A_8, %dma_start3A_23] : memref<3200x100xi32, #tpu.memory_space<hbm>> -> memref<1x100xi32, #tpu.memory_space<hbm>>
      %dma_start3A_25 = tpu.memref_squeeze %dma_start3A_24 : memref<1x100xi32, #tpu.memory_space<hbm>> -> memref<100xi32, #tpu.memory_space<hbm>>
      tpu.enqueue_dma source(%dma_start3A_25 : memref<100xi32, #tpu.memory_space<hbm>>) target(%arg10 : memref<100xi32, #tpu.memory_space<vmem>>) target_semaphore(%run_scoped3A : memref<!tpu.dma_semaphore, #tpu.memory_space<semaphore_mem>>)
      %dma_wait3A = arith.constant 0 : i32
      %dma_wait3A_26 = tpu.memref_slice %arg5[%add3A_8, %dma_wait3A] : memref<3200x100xi32, #tpu.memory_space<hbm>> -> memref<1x100xi32, #tpu.memory_space<hbm>>
      %dma_wait3A_27 = tpu.memref_squeeze %dma_wait3A_26 : memref<1x100xi32, #tpu.memory_space<hbm>> -> memref<100xi32, #tpu.memory_space<hbm>>
      %dma_wait3A_28 = arith.constant 0 : i32
      %dma_wait3A_29 = tpu.memref_slice %arg5[%add3A_8, %dma_wait3A_28] : memref<3200x100xi32, #tpu.memory_space<hbm>> -> memref<1x100xi32, #tpu.memory_space<hbm>>
      %dma_wait3A_30 = tpu.memref_squeeze %dma_wait3A_29 : memref<1x100xi32, #tpu.memory_space<hbm>> -> memref<100xi32, #tpu.memory_space<hbm>>
      tpu.wait_dma2 semaphore(%run_scoped3A : memref<!tpu.dma_semaphore, #tpu.memory_space<semaphore_mem>>) src(%dma_wait3A_30 : memref<100xi32, #tpu.memory_space<hbm>>) dst(%arg10 : memref<100xi32, #tpu.memory_space<vmem>>)
      tpu.yield
    }) : () -> ()
    %dma_start3A = arith.constant 0 : i32
    %dma_start3A_9 = arith.constant 0 : i32
    %dma_start3A_10 = tpu.memref_slice %arg2[%dma_start3A, %dma_start3A_9] : memref<10000x144xf32, #tpu.memory_space<hbm>> -> memref<10000x144xf32, #tpu.memory_space<hbm>>
    tpu.enqueue_indirect_dma source(%dma_start3A_10 : memref<10000x144xf32, #tpu.memory_space<hbm>>) target(%arg12 : memref<100x144xf32, #tpu.memory_space<vmem>>) offsets(%arg8 : memref<100xi32, #tpu.memory_space<vmem>>) semaphore(%arg17 : memref<!tpu.dma_semaphore, #tpu.memory_space<semaphore_mem>>)
    %dma_start3A_11 = arith.constant 0 : i32
    %dma_start3A_12 = arith.constant 0 : i32
    %dma_start3A_13 = tpu.memref_slice %arg3[%dma_start3A_11, %dma_start3A_12] : memref<10000x16xf32, #tpu.memory_space<hbm>> -> memref<10000x16xf32, #tpu.memory_space<hbm>>
    tpu.enqueue_indirect_dma source(%dma_start3A_13 : memref<10000x16xf32, #tpu.memory_space<hbm>>) target(%arg14 : memref<100x16xf32, #tpu.memory_space<vmem>>) offsets(%arg10 : memref<100xi32, #tpu.memory_space<vmem>>) semaphore(%arg17 : memref<!tpu.dma_semaphore, #tpu.memory_space<semaphore_mem>>)
    %scan3A = arith.constant 0 : i32
    %scan3A_14 = arith.constant 0 : i32
    %scan3A_15 = arith.constant 50 : i32
    %scan3A_16 = arith.addi %scan3A_14, %scan3A_15 : i32
    %scan3A_17 = arith.constant 1 : i32
    scf.for %scan3A_20 = %scan3A_14 to %scan3A_16 step %scan3A_17  : i32 {
      %mul3A_21 = arith.constant 2 : i32
      %mul3A_22 = arith.muli %mul3A_21, %scan3A_20 : i32
      %add3A_23 = arith.constant 0 : i32
      %add3A_24 = arith.addi %mul3A_22, %add3A_23 : i32
      %add3A_25 = arith.constant 1 : i32
      %add3A_26 = arith.addi %add3A_24, %add3A_25 : i32
      %lt3A = arith.constant 100 : i32
      %lt3A_27 = arith.cmpi slt, %add3A_26, %lt3A : i32
      %convert_element_type3A = arith.extui %lt3A_27 : i1 to i32
      %cond3A = arith.constant 0 : i32
      %cond3A_28 = arith.cmpi ne, %convert_element_type3A, %cond3A : i32
      scf.if %cond3A_28 {
        %add3A_56 = arith.constant 1 : i32
        %add3A_57 = arith.addi %add3A_24, %add3A_56 : i32
        %add3A_58 = arith.addi %mul3A_4, %add3A_57 : i32
        "tpu.region"() ({
          %run_scoped3A = tpu.sem_alloc : memref<!tpu.dma_semaphore, #tpu.memory_space<semaphore_mem>>
          %dma_start3A_66 = arith.constant 0 : i32
          %dma_start3A_67 = tpu.memref_slice %arg4[%add3A_58, %dma_start3A_66] : memref<3200x100xi32, #tpu.memory_space<hbm>> -> memref<1x100xi32, #tpu.memory_space<hbm>>
          %dma_start3A_68 = tpu.memref_squeeze %dma_start3A_67 : memref<1x100xi32, #tpu.memory_space<hbm>> -> memref<100xi32, #tpu.memory_space<hbm>>
          %dma_start3A_69 = arith.constant 0 : i32
          %dma_start3A_70 = tpu.memref_slice %arg4[%add3A_58, %dma_start3A_69] : memref<3200x100xi32, #tpu.memory_space<hbm>> -> memref<1x100xi32, #tpu.memory_space<hbm>>
          %dma_start3A_71 = tpu.memref_squeeze %dma_start3A_70 : memref<1x100xi32, #tpu.memory_space<hbm>> -> memref<100xi32, #tpu.memory_space<hbm>>
          tpu.enqueue_dma source(%dma_start3A_71 : memref<100xi32, #tpu.memory_space<hbm>>) target(%arg9 : memref<100xi32, #tpu.memory_space<vmem>>) target_semaphore(%run_scoped3A : memref<!tpu.dma_semaphore, #tpu.memory_space<semaphore_mem>>)
          %dma_wait3A_72 = arith.constant 0 : i32
          %dma_wait3A_73 = tpu.memref_slice %arg4[%add3A_58, %dma_wait3A_72] : memref<3200x100xi32, #tpu.memory_space<hbm>> -> memref<1x100xi32, #tpu.memory_space<hbm>>
          %dma_wait3A_74 = tpu.memref_squeeze %dma_wait3A_73 : memref<1x100xi32, #tpu.memory_space<hbm>> -> memref<100xi32, #tpu.memory_space<hbm>>
          %dma_wait3A_75 = arith.constant 0 : i32
          %dma_wait3A_76 = tpu.memref_slice %arg4[%add3A_58, %dma_wait3A_75] : memref<3200x100xi32, #tpu.memory_space<hbm>> -> memref<1x100xi32, #tpu.memory_space<hbm>>
          %dma_wait3A_77 = tpu.memref_squeeze %dma_wait3A_76 : memref<1x100xi32, #tpu.memory_space<hbm>> -> memref<100xi32, #tpu.memory_space<hbm>>
          tpu.wait_dma2 semaphore(%run_scoped3A : memref<!tpu.dma_semaphore, #tpu.memory_space<semaphore_mem>>) src(%dma_wait3A_77 : memref<100xi32, #tpu.memory_space<hbm>>) dst(%arg9 : memref<100xi32, #tpu.memory_space<vmem>>)
          tpu.yield
        }) : () -> ()
        %add3A_59 = arith.addi %mul3A_4, %add3A_57 : i32
        "tpu.region"() ({
          %run_scoped3A = tpu.sem_alloc : memref<!tpu.dma_semaphore, #tpu.memory_space<semaphore_mem>>
          %dma_start3A_66 = arith.constant 0 : i32
          %dma_start3A_67 = tpu.memref_slice %arg5[%add3A_59, %dma_start3A_66] : memref<3200x100xi32, #tpu.memory_space<hbm>> -> memref<1x100xi32, #tpu.memory_space<hbm>>
          %dma_start3A_68 = tpu.memref_squeeze %dma_start3A_67 : memref<1x100xi32, #tpu.memory_space<hbm>> -> memref<100xi32, #tpu.memory_space<hbm>>
          %dma_start3A_69 = arith.constant 0 : i32
          %dma_start3A_70 = tpu.memref_slice %arg5[%add3A_59, %dma_start3A_69] : memref<3200x100xi32, #tpu.memory_space<hbm>> -> memref<1x100xi32, #tpu.memory_space<hbm>>
          %dma_start3A_71 = tpu.memref_squeeze %dma_start3A_70 : memref<1x100xi32, #tpu.memory_space<hbm>> -> memref<100xi32, #tpu.memory_space<hbm>>
          tpu.enqueue_dma source(%dma_start3A_71 : memref<100xi32, #tpu.memory_space<hbm>>) target(%arg11 : memref<100xi32, #tpu.memory_space<vmem>>) target_semaphore(%run_scoped3A : memref<!tpu.dma_semaphore, #tpu.memory_space<semaphore_mem>>)
          %dma_wait3A_72 = arith.constant 0 : i32
          %dma_wait3A_73 = tpu.memref_slice %arg5[%add3A_59, %dma_wait3A_72] : memref<3200x100xi32, #tpu.memory_space<hbm>> -> memref<1x100xi32, #tpu.memory_space<hbm>>
          %dma_wait3A_74 = tpu.memref_squeeze %dma_wait3A_73 : memref<1x100xi32, #tpu.memory_space<hbm>> -> memref<100xi32, #tpu.memory_space<hbm>>
          %dma_wait3A_75 = arith.constant 0 : i32
          %dma_wait3A_76 = tpu.memref_slice %arg5[%add3A_59, %dma_wait3A_75] : memref<3200x100xi32, #tpu.memory_space<hbm>> -> memref<1x100xi32, #tpu.memory_space<hbm>>
          %dma_wait3A_77 = tpu.memref_squeeze %dma_wait3A_76 : memref<1x100xi32, #tpu.memory_space<hbm>> -> memref<100xi32, #tpu.memory_space<hbm>>
          tpu.wait_dma2 semaphore(%run_scoped3A : memref<!tpu.dma_semaphore, #tpu.memory_space<semaphore_mem>>) src(%dma_wait3A_77 : memref<100xi32, #tpu.memory_space<hbm>>) dst(%arg11 : memref<100xi32, #tpu.memory_space<vmem>>)
          tpu.yield
        }) : () -> ()
        %dma_start3A_60 = arith.constant 0 : i32
        %dma_start3A_61 = arith.constant 0 : i32
        %dma_start3A_62 = tpu.memref_slice %arg2[%dma_start3A_60, %dma_start3A_61] : memref<10000x144xf32, #tpu.memory_space<hbm>> -> memref<10000x144xf32, #tpu.memory_space<hbm>>
        tpu.enqueue_indirect_dma source(%dma_start3A_62 : memref<10000x144xf32, #tpu.memory_space<hbm>>) target(%arg13 : memref<100x144xf32, #tpu.memory_space<vmem>>) offsets(%arg9 : memref<100xi32, #tpu.memory_space<vmem>>) semaphore(%arg18 : memref<!tpu.dma_semaphore, #tpu.memory_space<semaphore_mem>>)
        %dma_start3A_63 = arith.constant 0 : i32
        %dma_start3A_64 = arith.constant 0 : i32
        %dma_start3A_65 = tpu.memref_slice %arg3[%dma_start3A_63, %dma_start3A_64] : memref<10000x16xf32, #tpu.memory_space<hbm>> -> memref<10000x16xf32, #tpu.memory_space<hbm>>
        tpu.enqueue_indirect_dma source(%dma_start3A_65 : memref<10000x16xf32, #tpu.memory_space<hbm>>) target(%arg15 : memref<100x16xf32, #tpu.memory_space<vmem>>) offsets(%arg11 : memref<100xi32, #tpu.memory_space<vmem>>) semaphore(%arg18 : memref<!tpu.dma_semaphore, #tpu.memory_space<semaphore_mem>>)
      } else {
      }
      %dma_wait3A = arith.constant 0 : i32
      %dma_wait3A_29 = arith.constant 0 : i32
      %dma_wait3A_30 = tpu.memref_slice %arg2[%dma_wait3A, %dma_wait3A_29] : memref<10000x144xf32, #tpu.memory_space<hbm>> -> memref<10000x144xf32, #tpu.memory_space<hbm>>
      tpu.wait_indirect_dma semaphore(%arg17 : memref<!tpu.dma_semaphore, #tpu.memory_space<semaphore_mem>>) src(%dma_wait3A_30 : memref<10000x144xf32, #tpu.memory_space<hbm>>) dst(%arg12 : memref<100x144xf32, #tpu.memory_space<vmem>>)
      %dma_wait3A_31 = arith.constant 0 : i32
      %dma_wait3A_32 = arith.constant 0 : i32
      %dma_wait3A_33 = tpu.memref_slice %arg3[%dma_wait3A_31, %dma_wait3A_32] : memref<10000x16xf32, #tpu.memory_space<hbm>> -> memref<10000x16xf32, #tpu.memory_space<hbm>>
      tpu.wait_indirect_dma semaphore(%arg17 : memref<!tpu.dma_semaphore, #tpu.memory_space<semaphore_mem>>) src(%dma_wait3A_33 : memref<10000x16xf32, #tpu.memory_space<hbm>>) dst(%arg14 : memref<100x16xf32, #tpu.memory_space<vmem>>)
      %parallel_loop3A = arith.constant 0 : i32
      %parallel_loop3A_34 = arith.constant 100 : i32
      %parallel_loop3A_35 = arith.constant 1 : i32
      scf.for %parallel_loop3A_56 = %parallel_loop3A to %parallel_loop3A_34 step %parallel_loop3A_35  : i32 {
        %parallel_loop3A_57 = arith.index_cast %parallel_loop3A_56 : i32 to index
        %parallel_loop3A_58 = arith.constant 128 : index
        %parallel_loop3A_59 = tpu.vector_load %arg12[%parallel_loop3A_57, %parallel_loop3A_58] {strides = array<i32>} : memref<100x144xf32, #tpu.memory_space<vmem>>, vector<1x16xf32>,
        %parallel_loop3A_60 = vector.shape_cast %parallel_loop3A_59 : vector<1x16xf32> to vector<16xf32>
        %parallel_loop3A_61 = arith.index_cast %parallel_loop3A_56 : i32 to index
        %parallel_loop3A_62 = arith.constant 0 : index
        %parallel_loop3A_63 = tpu.vector_load %arg14[%parallel_loop3A_61, %parallel_loop3A_62] {strides = array<i32>} : memref<100x16xf32, #tpu.memory_space<vmem>>, vector<1x16xf32>,
        %parallel_loop3A_64 = vector.shape_cast %parallel_loop3A_63 : vector<1x16xf32> to vector<16xf32>
        %parallel_loop3A_65 = arith.addf %parallel_loop3A_60, %parallel_loop3A_64 : vector<16xf32>
        %parallel_loop3A_66 = arith.constant 0.000000e+00 : f32
        %parallel_loop3A_67 = vector.broadcast %parallel_loop3A_66 : f32 to vector<16xf32>
        %parallel_loop3A_68 = arith.cmpf oge, %parallel_loop3A_65, %parallel_loop3A_67 : vector<16xf32>
        %parallel_loop3A_69 = arith.constant 2.000000e-01 : f32
        %parallel_loop3A_70 = vector.broadcast %parallel_loop3A_69 : f32 to vector<16xf32>
        %parallel_loop3A_71 = arith.mulf %parallel_loop3A_65, %parallel_loop3A_70 : vector<16xf32>
        %parallel_loop3A_72 = arith.select %parallel_loop3A_68, %parallel_loop3A_65, %parallel_loop3A_71 : vector<16xi1>, vector<16xf32>
        %parallel_loop3A_73 = math.exp %parallel_loop3A_72 : vector<16xf32>
        %parallel_loop3A_74 = arith.index_cast %parallel_loop3A_56 : i32 to index
        %parallel_loop3A_75 = arith.constant 0 : index
        %parallel_loop3A_76 = tpu.vector_load %arg12[%parallel_loop3A_74, %parallel_loop3A_75] {strides = array<i32>} : memref<100x144xf32, #tpu.memory_space<vmem>>, vector<1x16xf32>,
        %parallel_loop3A_77 = vector.shape_cast %parallel_loop3A_76 : vector<1x16xf32> to vector<16xf32>
        %parallel_loop3A_78 = arith.mulf %parallel_loop3A_77, %parallel_loop3A_73 : vector<16xf32>
        %parallel_loop3A_79 = arith.index_cast %parallel_loop3A_56 : i32 to index
        %parallel_loop3A_80 = arith.constant 0 : index
        %parallel_loop3A_81 = tpu.vector_load %arg12[%parallel_loop3A_79, %parallel_loop3A_80] {strides = array<i32>} : memref<100x144xf32, #tpu.memory_space<vmem>>, vector<1x16xf32>,
        %parallel_loop3A_82 = vector.shape_cast %parallel_loop3A_81 : vector<1x16xf32> to vector<16xf32>
        %parallel_loop3A_83 = vector.shape_cast %parallel_loop3A_78 : vector<16xf32> to vector<1x16xf32>
        tpu.vector_store %arg12[%parallel_loop3A_79, %parallel_loop3A_80], %parallel_loop3A_83 {strides = array<i32>} : memref<100x144xf32, #tpu.memory_space<vmem>>, vector<1x16xf32>,
        %parallel_loop3A_84 = arith.index_cast %parallel_loop3A_56 : i32 to index
        %parallel_loop3A_85 = arith.constant 16 : index
        %parallel_loop3A_86 = tpu.vector_load %arg12[%parallel_loop3A_84, %parallel_loop3A_85] {strides = array<i32>} : memref<100x144xf32, #tpu.memory_space<vmem>>, vector<1x16xf32>,
        %parallel_loop3A_87 = vector.shape_cast %parallel_loop3A_86 : vector<1x16xf32> to vector<16xf32>
        %parallel_loop3A_88 = arith.mulf %parallel_loop3A_87, %parallel_loop3A_73 : vector<16xf32>
        %parallel_loop3A_89 = arith.index_cast %parallel_loop3A_56 : i32 to index
        %parallel_loop3A_90 = arith.constant 16 : index
        %parallel_loop3A_91 = tpu.vector_load %arg12[%parallel_loop3A_89, %parallel_loop3A_90] {strides = array<i32>} : memref<100x144xf32, #tpu.memory_space<vmem>>, vector<1x16xf32>,
        %parallel_loop3A_92 = vector.shape_cast %parallel_loop3A_91 : vector<1x16xf32> to vector<16xf32>
        %parallel_loop3A_93 = vector.shape_cast %parallel_loop3A_88 : vector<16xf32> to vector<1x16xf32>
        tpu.vector_store %arg12[%parallel_loop3A_89, %parallel_loop3A_90], %parallel_loop3A_93 {strides = array<i32>} : memref<100x144xf32, #tpu.memory_space<vmem>>, vector<1x16xf32>,
        %parallel_loop3A_94 = arith.index_cast %parallel_loop3A_56 : i32 to index
        %parallel_loop3A_95 = arith.constant 32 : index
        %parallel_loop3A_96 = tpu.vector_load %arg12[%parallel_loop3A_94, %parallel_loop3A_95] {strides = array<i32>} : memref<100x144xf32, #tpu.memory_space<vmem>>, vector<1x16xf32>,
        %parallel_loop3A_97 = vector.shape_cast %parallel_loop3A_96 : vector<1x16xf32> to vector<16xf32>
        %parallel_loop3A_98 = arith.mulf %parallel_loop3A_97, %parallel_loop3A_73 : vector<16xf32>
        %parallel_loop3A_99 = arith.index_cast %parallel_loop3A_56 : i32 to index
        %parallel_loop3A_100 = arith.constant 32 : index
        %parallel_loop3A_101 = tpu.vector_load %arg12[%parallel_loop3A_99, %parallel_loop3A_100] {strides = array<i32>} : memref<100x144xf32, #tpu.memory_space<vmem>>, vector<1x16xf32>,
        %parallel_loop3A_102 = vector.shape_cast %parallel_loop3A_101 : vector<1x16xf32> to vector<16xf32>
        %parallel_loop3A_103 = vector.shape_cast %parallel_loop3A_98 : vector<16xf32> to vector<1x16xf32>
        tpu.vector_store %arg12[%parallel_loop3A_99, %parallel_loop3A_100], %parallel_loop3A_103 {strides = array<i32>} : memref<100x144xf32, #tpu.memory_space<vmem>>, vector<1x16xf32>,
        %parallel_loop3A_104 = arith.index_cast %parallel_loop3A_56 : i32 to index
        %parallel_loop3A_105 = arith.constant 48 : index
        %parallel_loop3A_106 = tpu.vector_load %arg12[%parallel_loop3A_104, %parallel_loop3A_105] {strides = array<i32>} : memref<100x144xf32, #tpu.memory_space<vmem>>, vector<1x16xf32>,
        %parallel_loop3A_107 = vector.shape_cast %parallel_loop3A_106 : vector<1x16xf32> to vector<16xf32>
        %parallel_loop3A_108 = arith.mulf %parallel_loop3A_107, %parallel_loop3A_73 : vector<16xf32>
        %parallel_loop3A_109 = arith.index_cast %parallel_loop3A_56 : i32 to index
        %parallel_loop3A_110 = arith.constant 48 : index
        %parallel_loop3A_111 = tpu.vector_load %arg12[%parallel_loop3A_109, %parallel_loop3A_110] {strides = array<i32>} : memref<100x144xf32, #tpu.memory_space<vmem>>, vector<1x16xf32>,
        %parallel_loop3A_112 = vector.shape_cast %parallel_loop3A_111 : vector<1x16xf32> to vector<16xf32>
        %parallel_loop3A_113 = vector.shape_cast %parallel_loop3A_108 : vector<16xf32> to vector<1x16xf32>
        tpu.vector_store %arg12[%parallel_loop3A_109, %parallel_loop3A_110], %parallel_loop3A_113 {strides = array<i32>} : memref<100x144xf32, #tpu.memory_space<vmem>>, vector<1x16xf32>,
        %parallel_loop3A_114 = arith.index_cast %parallel_loop3A_56 : i32 to index
        %parallel_loop3A_115 = arith.constant 64 : index
        %parallel_loop3A_116 = tpu.vector_load %arg12[%parallel_loop3A_114, %parallel_loop3A_115] {strides = array<i32>} : memref<100x144xf32, #tpu.memory_space<vmem>>, vector<1x16xf32>,
        %parallel_loop3A_117 = vector.shape_cast %parallel_loop3A_116 : vector<1x16xf32> to vector<16xf32>
        %parallel_loop3A_118 = arith.mulf %parallel_loop3A_117, %parallel_loop3A_73 : vector<16xf32>
        %parallel_loop3A_119 = arith.index_cast %parallel_loop3A_56 : i32 to index
        %parallel_loop3A_120 = arith.constant 64 : index
        %parallel_loop3A_121 = tpu.vector_load %arg12[%parallel_loop3A_119, %parallel_loop3A_120] {strides = array<i32>} : memref<100x144xf32, #tpu.memory_space<vmem>>, vector<1x16xf32>,
        %parallel_loop3A_122 = vector.shape_cast %parallel_loop3A_121 : vector<1x16xf32> to vector<16xf32>
        %parallel_loop3A_123 = vector.shape_cast %parallel_loop3A_118 : vector<16xf32> to vector<1x16xf32>
        tpu.vector_store %arg12[%parallel_loop3A_119, %parallel_loop3A_120], %parallel_loop3A_123 {strides = array<i32>} : memref<100x144xf32, #tpu.memory_space<vmem>>, vector<1x16xf32>,
        %parallel_loop3A_124 = arith.index_cast %parallel_loop3A_56 : i32 to index
        %parallel_loop3A_125 = arith.constant 80 : index
        %parallel_loop3A_126 = tpu.vector_load %arg12[%parallel_loop3A_124, %parallel_loop3A_125] {strides = array<i32>} : memref<100x144xf32, #tpu.memory_space<vmem>>, vector<1x16xf32>,
        %parallel_loop3A_127 = vector.shape_cast %parallel_loop3A_126 : vector<1x16xf32> to vector<16xf32>
        %parallel_loop3A_128 = arith.mulf %parallel_loop3A_127, %parallel_loop3A_73 : vector<16xf32>
        %parallel_loop3A_129 = arith.index_cast %parallel_loop3A_56 : i32 to index
        %parallel_loop3A_130 = arith.constant 80 : index
        %parallel_loop3A_131 = tpu.vector_load %arg12[%parallel_loop3A_129, %parallel_loop3A_130] {strides = array<i32>} : memref<100x144xf32, #tpu.memory_space<vmem>>, vector<1x16xf32>,
        %parallel_loop3A_132 = vector.shape_cast %parallel_loop3A_131 : vector<1x16xf32> to vector<16xf32>
        %parallel_loop3A_133 = vector.shape_cast %parallel_loop3A_128 : vector<16xf32> to vector<1x16xf32>
        tpu.vector_store %arg12[%parallel_loop3A_129, %parallel_loop3A_130], %parallel_loop3A_133 {strides = array<i32>} : memref<100x144xf32, #tpu.memory_space<vmem>>, vector<1x16xf32>,
        %parallel_loop3A_134 = arith.index_cast %parallel_loop3A_56 : i32 to index
        %parallel_loop3A_135 = arith.constant 96 : index
        %parallel_loop3A_136 = tpu.vector_load %arg12[%parallel_loop3A_134, %parallel_loop3A_135] {strides = array<i32>} : memref<100x144xf32, #tpu.memory_space<vmem>>, vector<1x16xf32>,
        %parallel_loop3A_137 = vector.shape_cast %parallel_loop3A_136 : vector<1x16xf32> to vector<16xf32>
        %parallel_loop3A_138 = arith.mulf %parallel_loop3A_137, %parallel_loop3A_73 : vector<16xf32>
        %parallel_loop3A_139 = arith.index_cast %parallel_loop3A_56 : i32 to index
        %parallel_loop3A_140 = arith.constant 96 : index
        %parallel_loop3A_141 = tpu.vector_load %arg12[%parallel_loop3A_139, %parallel_loop3A_140] {strides = array<i32>} : memref<100x144xf32, #tpu.memory_space<vmem>>, vector<1x16xf32>,
        %parallel_loop3A_142 = vector.shape_cast %parallel_loop3A_141 : vector<1x16xf32> to vector<16xf32>
        %parallel_loop3A_143 = vector.shape_cast %parallel_loop3A_138 : vector<16xf32> to vector<1x16xf32>
        tpu.vector_store %arg12[%parallel_loop3A_139, %parallel_loop3A_140], %parallel_loop3A_143 {strides = array<i32>} : memref<100x144xf32, #tpu.memory_space<vmem>>, vector<1x16xf32>,
        %parallel_loop3A_144 = arith.index_cast %parallel_loop3A_56 : i32 to index
        %parallel_loop3A_145 = arith.constant 112 : index
        %parallel_loop3A_146 = tpu.vector_load %arg12[%parallel_loop3A_144, %parallel_loop3A_145] {strides = array<i32>} : memref<100x144xf32, #tpu.memory_space<vmem>>, vector<1x16xf32>,
        %parallel_loop3A_147 = vector.shape_cast %parallel_loop3A_146 : vector<1x16xf32> to vector<16xf32>
        %parallel_loop3A_148 = arith.mulf %parallel_loop3A_147, %parallel_loop3A_73 : vector<16xf32>
        %parallel_loop3A_149 = arith.index_cast %parallel_loop3A_56 : i32 to index
        %parallel_loop3A_150 = arith.constant 112 : index
        %parallel_loop3A_151 = tpu.vector_load %arg12[%parallel_loop3A_149, %parallel_loop3A_150] {strides = array<i32>} : memref<100x144xf32, #tpu.memory_space<vmem>>, vector<1x16xf32>,
        %parallel_loop3A_152 = vector.shape_cast %parallel_loop3A_151 : vector<1x16xf32> to vector<16xf32>
        %parallel_loop3A_153 = vector.shape_cast %parallel_loop3A_148 : vector<16xf32> to vector<1x16xf32>
        tpu.vector_store %arg12[%parallel_loop3A_149, %parallel_loop3A_150], %parallel_loop3A_153 {strides = array<i32>} : memref<100x144xf32, #tpu.memory_space<vmem>>, vector<1x16xf32>,
        %parallel_loop3A_154 = arith.index_cast %parallel_loop3A_56 : i32 to index
        %parallel_loop3A_155 = arith.constant 128 : index
        %parallel_loop3A_156 = tpu.vector_load %arg12[%parallel_loop3A_154, %parallel_loop3A_155] {strides = array<i32>} : memref<100x144xf32, #tpu.memory_space<vmem>>, vector<1x16xf32>,
        %parallel_loop3A_157 = vector.shape_cast %parallel_loop3A_156 : vector<1x16xf32> to vector<16xf32>
        %parallel_loop3A_158 = vector.shape_cast %parallel_loop3A_73 : vector<16xf32> to vector<1x16xf32>
        tpu.vector_store %arg12[%parallel_loop3A_154, %parallel_loop3A_155], %parallel_loop3A_158 {strides = array<i32>} : memref<100x144xf32, #tpu.memory_space<vmem>>, vector<1x16xf32>,
      } {sc.loop_unroll_factor = 4 : i64, sc.parallel_access}
      "tpu.region"() ({
        %run_scoped3A = tpu.sem_alloc : memref<!tpu.dma_semaphore, #tpu.memory_space<semaphore_mem>>
        %dma_start3A_56 = arith.constant 0 : i32
        %dma_start3A_57 = arith.constant 0 : i32
        %dma_start3A_58 = tpu.memref_slice %arg16[%dma_start3A_56, %dma_start3A_57] : memref<10240x144xf32, #tpu.memory_space<vmem_shared>> -> memref<10240x144xf32, #tpu.memory_space<vmem_shared>>
        tpu.enqueue_indirect_dma source(%arg12 : memref<100x144xf32, #tpu.memory_space<vmem>>) target(%dma_start3A_58 : memref<10240x144xf32, #tpu.memory_space<vmem_shared>>) offsets(%arg10 : memref<100xi32, #tpu.memory_space<vmem>>) semaphore(%run_scoped3A : memref<!tpu.dma_semaphore, #tpu.memory_space<semaphore_mem>>) {add = true}
        %dma_wait3A_59 = arith.constant 0 : i32
        %dma_wait3A_60 = arith.constant 0 : i32
        %dma_wait3A_61 = tpu.memref_slice %arg16[%dma_wait3A_59, %dma_wait3A_60] : memref<10240x144xf32, #tpu.memory_space<vmem_shared>> -> memref<10240x144xf32, #tpu.memory_space<vmem_shared>>
        tpu.wait_indirect_dma semaphore(%run_scoped3A : memref<!tpu.dma_semaphore, #tpu.memory_space<semaphore_mem>>) src(%arg12 : memref<100x144xf32, #tpu.memory_space<vmem>>) dst(%dma_wait3A_61 : memref<10240x144xf32, #tpu.memory_space<vmem_shared>>)
        tpu.yield
      }) : () -> ()
      %mul3A_36 = arith.constant 2 : i32
      %mul3A_37 = arith.muli %mul3A_36, %scan3A_20 : i32
      %add3A_38 = arith.constant 1 : i32
      %add3A_39 = arith.addi %mul3A_37, %add3A_38 : i32
      %add3A_40 = arith.constant 1 : i32
      %add3A_41 = arith.addi %add3A_39, %add3A_40 : i32
      %lt3A_42 = arith.constant 100 : i32
      %lt3A_43 = arith.cmpi slt, %add3A_41, %lt3A_42 : i32
      %convert_element_type3A_44 = arith.extui %lt3A_43 : i1 to i32
      %cond3A_45 = arith.constant 0 : i32
      %cond3A_46 = arith.cmpi ne, %convert_element_type3A_44, %cond3A_45 : i32
      scf.if %cond3A_46 {
        %add3A_56 = arith.constant 1 : i32
        %add3A_57 = arith.addi %add3A_39, %add3A_56 : i32
        %add3A_58 = arith.addi %mul3A_4, %add3A_57 : i32
        "tpu.region"() ({
          %run_scoped3A = tpu.sem_alloc : memref<!tpu.dma_semaphore, #tpu.memory_space<semaphore_mem>>
          %dma_start3A_66 = arith.constant 0 : i32
          %dma_start3A_67 = tpu.memref_slice %arg4[%add3A_58, %dma_start3A_66] : memref<3200x100xi32, #tpu.memory_space<hbm>> -> memref<1x100xi32, #tpu.memory_space<hbm>>
          %dma_start3A_68 = tpu.memref_squeeze %dma_start3A_67 : memref<1x100xi32, #tpu.memory_space<hbm>> -> memref<100xi32, #tpu.memory_space<hbm>>
          %dma_start3A_69 = arith.constant 0 : i32
          %dma_start3A_70 = tpu.memref_slice %arg4[%add3A_58, %dma_start3A_69] : memref<3200x100xi32, #tpu.memory_space<hbm>> -> memref<1x100xi32, #tpu.memory_space<hbm>>
          %dma_start3A_71 = tpu.memref_squeeze %dma_start3A_70 : memref<1x100xi32, #tpu.memory_space<hbm>> -> memref<100xi32, #tpu.memory_space<hbm>>
          tpu.enqueue_dma source(%dma_start3A_71 : memref<100xi32, #tpu.memory_space<hbm>>) target(%arg8 : memref<100xi32, #tpu.memory_space<vmem>>) target_semaphore(%run_scoped3A : memref<!tpu.dma_semaphore, #tpu.memory_space<semaphore_mem>>)
          %dma_wait3A_72 = arith.constant 0 : i32
          %dma_wait3A_73 = tpu.memref_slice %arg4[%add3A_58, %dma_wait3A_72] : memref<3200x100xi32, #tpu.memory_space<hbm>> -> memref<1x100xi32, #tpu.memory_space<hbm>>
          %dma_wait3A_74 = tpu.memref_squeeze %dma_wait3A_73 : memref<1x100xi32, #tpu.memory_space<hbm>> -> memref<100xi32, #tpu.memory_space<hbm>>
          %dma_wait3A_75 = arith.constant 0 : i32
          %dma_wait3A_76 = tpu.memref_slice %arg4[%add3A_58, %dma_wait3A_75] : memref<3200x100xi32, #tpu.memory_space<hbm>> -> memref<1x100xi32, #tpu.memory_space<hbm>>
          %dma_wait3A_77 = tpu.memref_squeeze %dma_wait3A_76 : memref<1x100xi32, #tpu.memory_space<hbm>> -> memref<100xi32, #tpu.memory_space<hbm>>
          tpu.wait_dma2 semaphore(%run_scoped3A : memref<!tpu.dma_semaphore, #tpu.memory_space<semaphore_mem>>) src(%dma_wait3A_77 : memref<100xi32, #tpu.memory_space<hbm>>) dst(%arg8 : memref<100xi32, #tpu.memory_space<vmem>>)
          tpu.yield
        }) : () -> ()
        %add3A_59 = arith.addi %mul3A_4, %add3A_57 : i32
        "tpu.region"() ({
          %run_scoped3A = tpu.sem_alloc : memref<!tpu.dma_semaphore, #tpu.memory_space<semaphore_mem>>
          %dma_start3A_66 = arith.constant 0 : i32
          %dma_start3A_67 = tpu.memref_slice %arg5[%add3A_59, %dma_start3A_66] : memref<3200x100xi32, #tpu.memory_space<hbm>> -> memref<1x100xi32, #tpu.memory_space<hbm>>
          %dma_start3A_68 = tpu.memref_squeeze %dma_start3A_67 : memref<1x100xi32, #tpu.memory_space<hbm>> -> memref<100xi32, #tpu.memory_space<hbm>>
          %dma_start3A_69 = arith.constant 0 : i32
          %dma_start3A_70 = tpu.memref_slice %arg5[%add3A_59, %dma_start3A_69] : memref<3200x100xi32, #tpu.memory_space<hbm>> -> memref<1x100xi32, #tpu.memory_space<hbm>>
          %dma_start3A_71 = tpu.memref_squeeze %dma_start3A_70 : memref<1x100xi32, #tpu.memory_space<hbm>> -> memref<100xi32, #tpu.memory_space<hbm>>
          tpu.enqueue_dma source(%dma_start3A_71 : memref<100xi32, #tpu.memory_space<hbm>>) target(%arg10 : memref<100xi32, #tpu.memory_space<vmem>>) target_semaphore(%run_scoped3A : memref<!tpu.dma_semaphore, #tpu.memory_space<semaphore_mem>>)
          %dma_wait3A_72 = arith.constant 0 : i32
          %dma_wait3A_73 = tpu.memref_slice %arg5[%add3A_59, %dma_wait3A_72] : memref<3200x100xi32, #tpu.memory_space<hbm>> -> memref<1x100xi32, #tpu.memory_space<hbm>>
          %dma_wait3A_74 = tpu.memref_squeeze %dma_wait3A_73 : memref<1x100xi32, #tpu.memory_space<hbm>> -> memref<100xi32, #tpu.memory_space<hbm>>
          %dma_wait3A_75 = arith.constant 0 : i32
          %dma_wait3A_76 = tpu.memref_slice %arg5[%add3A_59, %dma_wait3A_75] : memref<3200x100xi32, #tpu.memory_space<hbm>> -> memref<1x100xi32, #tpu.memory_space<hbm>>
          %dma_wait3A_77 = tpu.memref_squeeze %dma_wait3A_76 : memref<1x100xi32, #tpu.memory_space<hbm>> -> memref<100xi32, #tpu.memory_space<hbm>>
          tpu.wait_dma2 semaphore(%run_scoped3A : memref<!tpu.dma_semaphore, #tpu.memory_space<semaphore_mem>>) src(%dma_wait3A_77 : memref<100xi32, #tpu.memory_space<hbm>>) dst(%arg10 : memref<100xi32, #tpu.memory_space<vmem>>)
          tpu.yield
        }) : () -> ()
        %dma_start3A_60 = arith.constant 0 : i32
        %dma_start3A_61 = arith.constant 0 : i32
        %dma_start3A_62 = tpu.memref_slice %arg2[%dma_start3A_60, %dma_start3A_61] : memref<10000x144xf32, #tpu.memory_space<hbm>> -> memref<10000x144xf32, #tpu.memory_space<hbm>>
        tpu.enqueue_indirect_dma source(%dma_start3A_62 : memref<10000x144xf32, #tpu.memory_space<hbm>>) target(%arg12 : memref<100x144xf32, #tpu.memory_space<vmem>>) offsets(%arg8 : memref<100xi32, #tpu.memory_space<vmem>>) semaphore(%arg17 : memref<!tpu.dma_semaphore, #tpu.memory_space<semaphore_mem>>)
        %dma_start3A_63 = arith.constant 0 : i32
        %dma_start3A_64 = arith.constant 0 : i32
        %dma_start3A_65 = tpu.memref_slice %arg3[%dma_start3A_63, %dma_start3A_64] : memref<10000x16xf32, #tpu.memory_space<hbm>> -> memref<10000x16xf32, #tpu.memory_space<hbm>>
        tpu.enqueue_indirect_dma source(%dma_start3A_65 : memref<10000x16xf32, #tpu.memory_space<hbm>>) target(%arg14 : memref<100x16xf32, #tpu.memory_space<vmem>>) offsets(%arg10 : memref<100xi32, #tpu.memory_space<vmem>>) semaphore(%arg17 : memref<!tpu.dma_semaphore, #tpu.memory_space<semaphore_mem>>)
      } else {
      }
      %dma_wait3A_47 = arith.constant 0 : i32
      %dma_wait3A_48 = arith.constant 0 : i32
      %dma_wait3A_49 = tpu.memref_slice %arg2[%dma_wait3A_47, %dma_wait3A_48] : memref<10000x144xf32, #tpu.memory_space<hbm>> -> memref<10000x144xf32, #tpu.memory_space<hbm>>
      tpu.wait_indirect_dma semaphore(%arg18 : memref<!tpu.dma_semaphore, #tpu.memory_space<semaphore_mem>>) src(%dma_wait3A_49 : memref<10000x144xf32, #tpu.memory_space<hbm>>) dst(%arg13 : memref<100x144xf32, #tpu.memory_space<vmem>>)
      %dma_wait3A_50 = arith.constant 0 : i32
      %dma_wait3A_51 = arith.constant 0 : i32
      %dma_wait3A_52 = tpu.memref_slice %arg3[%dma_wait3A_50, %dma_wait3A_51] : memref<10000x16xf32, #tpu.memory_space<hbm>> -> memref<10000x16xf32, #tpu.memory_space<hbm>>
      tpu.wait_indirect_dma semaphore(%arg18 : memref<!tpu.dma_semaphore, #tpu.memory_space<semaphore_mem>>) src(%dma_wait3A_52 : memref<10000x16xf32, #tpu.memory_space<hbm>>) dst(%arg15 : memref<100x16xf32, #tpu.memory_space<vmem>>)
      %parallel_loop3A_53 = arith.constant 0 : i32
      %parallel_loop3A_54 = arith.constant 100 : i32
      %parallel_loop3A_55 = arith.constant 1 : i32
      scf.for %parallel_loop3A_56 = %parallel_loop3A_53 to %parallel_loop3A_54 step %parallel_loop3A_55  : i32 {
        %parallel_loop3A_57 = arith.index_cast %parallel_loop3A_56 : i32 to index
        %parallel_loop3A_58 = arith.constant 128 : index
        %parallel_loop3A_59 = tpu.vector_load %arg13[%parallel_loop3A_57, %parallel_loop3A_58] {strides = array<i32>} : memref<100x144xf32, #tpu.memory_space<vmem>>, vector<1x16xf32>,
        %parallel_loop3A_60 = vector.shape_cast %parallel_loop3A_59 : vector<1x16xf32> to vector<16xf32>
        %parallel_loop3A_61 = arith.index_cast %parallel_loop3A_56 : i32 to index
        %parallel_loop3A_62 = arith.constant 0 : index
        %parallel_loop3A_63 = tpu.vector_load %arg15[%parallel_loop3A_61, %parallel_loop3A_62] {strides = array<i32>} : memref<100x16xf32, #tpu.memory_space<vmem>>, vector<1x16xf32>,
        %parallel_loop3A_64 = vector.shape_cast %parallel_loop3A_63 : vector<1x16xf32> to vector<16xf32>
        %parallel_loop3A_65 = arith.addf %parallel_loop3A_60, %parallel_loop3A_64 : vector<16xf32>
        %parallel_loop3A_66 = arith.constant 0.000000e+00 : f32
        %parallel_loop3A_67 = vector.broadcast %parallel_loop3A_66 : f32 to vector<16xf32>
        %parallel_loop3A_68 = arith.cmpf oge, %parallel_loop3A_65, %parallel_loop3A_67 : vector<16xf32>
        %parallel_loop3A_69 = arith.constant 2.000000e-01 : f32
        %parallel_loop3A_70 = vector.broadcast %parallel_loop3A_69 : f32 to vector<16xf32>
        %parallel_loop3A_71 = arith.mulf %parallel_loop3A_65, %parallel_loop3A_70 : vector<16xf32>
        %parallel_loop3A_72 = arith.select %parallel_loop3A_68, %parallel_loop3A_65, %parallel_loop3A_71 : vector<16xi1>, vector<16xf32>
        %parallel_loop3A_73 = math.exp %parallel_loop3A_72 : vector<16xf32>
        %parallel_loop3A_74 = arith.index_cast %parallel_loop3A_56 : i32 to index
        %parallel_loop3A_75 = arith.constant 0 : index
        %parallel_loop3A_76 = tpu.vector_load %arg13[%parallel_loop3A_74, %parallel_loop3A_75] {strides = array<i32>} : memref<100x144xf32, #tpu.memory_space<vmem>>, vector<1x16xf32>,
        %parallel_loop3A_77 = vector.shape_cast %parallel_loop3A_76 : vector<1x16xf32> to vector<16xf32>
        %parallel_loop3A_78 = arith.mulf %parallel_loop3A_77, %parallel_loop3A_73 : vector<16xf32>
        %parallel_loop3A_79 = arith.index_cast %parallel_loop3A_56 : i32 to index
        %parallel_loop3A_80 = arith.constant 0 : index
        %parallel_loop3A_81 = tpu.vector_load %arg13[%parallel_loop3A_79, %parallel_loop3A_80] {strides = array<i32>} : memref<100x144xf32, #tpu.memory_space<vmem>>, vector<1x16xf32>,
        %parallel_loop3A_82 = vector.shape_cast %parallel_loop3A_81 : vector<1x16xf32> to vector<16xf32>
        %parallel_loop3A_83 = vector.shape_cast %parallel_loop3A_78 : vector<16xf32> to vector<1x16xf32>
        tpu.vector_store %arg13[%parallel_loop3A_79, %parallel_loop3A_80], %parallel_loop3A_83 {strides = array<i32>} : memref<100x144xf32, #tpu.memory_space<vmem>>, vector<1x16xf32>,
        %parallel_loop3A_84 = arith.index_cast %parallel_loop3A_56 : i32 to index
        %parallel_loop3A_85 = arith.constant 16 : index
        %parallel_loop3A_86 = tpu.vector_load %arg13[%parallel_loop3A_84, %parallel_loop3A_85] {strides = array<i32>} : memref<100x144xf32, #tpu.memory_space<vmem>>, vector<1x16xf32>,
        %parallel_loop3A_87 = vector.shape_cast %parallel_loop3A_86 : vector<1x16xf32> to vector<16xf32>
        %parallel_loop3A_88 = arith.mulf %parallel_loop3A_87, %parallel_loop3A_73 : vector<16xf32>
        %parallel_loop3A_89 = arith.index_cast %parallel_loop3A_56 : i32 to index
        %parallel_loop3A_90 = arith.constant 16 : index
        %parallel_loop3A_91 = tpu.vector_load %arg13[%parallel_loop3A_89, %parallel_loop3A_90] {strides = array<i32>} : memref<100x144xf32, #tpu.memory_space<vmem>>, vector<1x16xf32>,
        %parallel_loop3A_92 = vector.shape_cast %parallel_loop3A_91 : vector<1x16xf32> to vector<16xf32>
        %parallel_loop3A_93 = vector.shape_cast %parallel_loop3A_88 : vector<16xf32> to vector<1x16xf32>
        tpu.vector_store %arg13[%parallel_loop3A_89, %parallel_loop3A_90], %parallel_loop3A_93 {strides = array<i32>} : memref<100x144xf32, #tpu.memory_space<vmem>>, vector<1x16xf32>,
        %parallel_loop3A_94 = arith.index_cast %parallel_loop3A_56 : i32 to index
        %parallel_loop3A_95 = arith.constant 32 : index
        %parallel_loop3A_96 = tpu.vector_load %arg13[%parallel_loop3A_94, %parallel_loop3A_95] {strides = array<i32>} : memref<100x144xf32, #tpu.memory_space<vmem>>, vector<1x16xf32>,
        %parallel_loop3A_97 = vector.shape_cast %parallel_loop3A_96 : vector<1x16xf32> to vector<16xf32>
        %parallel_loop3A_98 = arith.mulf %parallel_loop3A_97, %parallel_loop3A_73 : vector<16xf32>
        %parallel_loop3A_99 = arith.index_cast %parallel_loop3A_56 : i32 to index
        %parallel_loop3A_100 = arith.constant 32 : index
        %parallel_loop3A_101 = tpu.vector_load %arg13[%parallel_loop3A_99, %parallel_loop3A_100] {strides = array<i32>} : memref<100x144xf32, #tpu.memory_space<vmem>>, vector<1x16xf32>,
        %parallel_loop3A_102 = vector.shape_cast %parallel_loop3A_101 : vector<1x16xf32> to vector<16xf32>
        %parallel_loop3A_103 = vector.shape_cast %parallel_loop3A_98 : vector<16xf32> to vector<1x16xf32>
        tpu.vector_store %arg13[%parallel_loop3A_99, %parallel_loop3A_100], %parallel_loop3A_103 {strides = array<i32>} : memref<100x144xf32, #tpu.memory_space<vmem>>, vector<1x16xf32>,
        %parallel_loop3A_104 = arith.index_cast %parallel_loop3A_56 : i32 to index
        %parallel_loop3A_105 = arith.constant 48 : index
        %parallel_loop3A_106 = tpu.vector_load %arg13[%parallel_loop3A_104, %parallel_loop3A_105] {strides = array<i32>} : memref<100x144xf32, #tpu.memory_space<vmem>>, vector<1x16xf32>,
        %parallel_loop3A_107 = vector.shape_cast %parallel_loop3A_106 : vector<1x16xf32> to vector<16xf32>
        %parallel_loop3A_108 = arith.mulf %parallel_loop3A_107, %parallel_loop3A_73 : vector<16xf32>
        %parallel_loop3A_109 = arith.index_cast %parallel_loop3A_56 : i32 to index
        %parallel_loop3A_110 = arith.constant 48 : index
        %parallel_loop3A_111 = tpu.vector_load %arg13[%parallel_loop3A_109, %parallel_loop3A_110] {strides = array<i32>} : memref<100x144xf32, #tpu.memory_space<vmem>>, vector<1x16xf32>,
        %parallel_loop3A_112 = vector.shape_cast %parallel_loop3A_111 : vector<1x16xf32> to vector<16xf32>
        %parallel_loop3A_113 = vector.shape_cast %parallel_loop3A_108 : vector<16xf32> to vector<1x16xf32>
        tpu.vector_store %arg13[%parallel_loop3A_109, %parallel_loop3A_110], %parallel_loop3A_113 {strides = array<i32>} : memref<100x144xf32, #tpu.memory_space<vmem>>, vector<1x16xf32>,
        %parallel_loop3A_114 = arith.index_cast %parallel_loop3A_56 : i32 to index
        %parallel_loop3A_115 = arith.constant 64 : index
        %parallel_loop3A_116 = tpu.vector_load %arg13[%parallel_loop3A_114, %parallel_loop3A_115] {strides = array<i32>} : memref<100x144xf32, #tpu.memory_space<vmem>>, vector<1x16xf32>,
        %parallel_loop3A_117 = vector.shape_cast %parallel_loop3A_116 : vector<1x16xf32> to vector<16xf32>
        %parallel_loop3A_118 = arith.mulf %parallel_loop3A_117, %parallel_loop3A_73 : vector<16xf32>
        %parallel_loop3A_119 = arith.index_cast %parallel_loop3A_56 : i32 to index
        %parallel_loop3A_120 = arith.constant 64 : index
        %parallel_loop3A_121 = tpu.vector_load %arg13[%parallel_loop3A_119, %parallel_loop3A_120] {strides = array<i32>} : memref<100x144xf32, #tpu.memory_space<vmem>>, vector<1x16xf32>,
        %parallel_loop3A_122 = vector.shape_cast %parallel_loop3A_121 : vector<1x16xf32> to vector<16xf32>
        %parallel_loop3A_123 = vector.shape_cast %parallel_loop3A_118 : vector<16xf32> to vector<1x16xf32>
        tpu.vector_store %arg13[%parallel_loop3A_119, %parallel_loop3A_120], %parallel_loop3A_123 {strides = array<i32>} : memref<100x144xf32, #tpu.memory_space<vmem>>, vector<1x16xf32>,
        %parallel_loop3A_124 = arith.index_cast %parallel_loop3A_56 : i32 to index
        %parallel_loop3A_125 = arith.constant 80 : index
        %parallel_loop3A_126 = tpu.vector_load %arg13[%parallel_loop3A_124, %parallel_loop3A_125] {strides = array<i32>} : memref<100x144xf32, #tpu.memory_space<vmem>>, vector<1x16xf32>,
        %parallel_loop3A_127 = vector.shape_cast %parallel_loop3A_126 : vector<1x16xf32> to vector<16xf32>
        %parallel_loop3A_128 = arith.mulf %parallel_loop3A_127, %parallel_loop3A_73 : vector<16xf32>
        %parallel_loop3A_129 = arith.index_cast %parallel_loop3A_56 : i32 to index
        %parallel_loop3A_130 = arith.constant 80 : index
        %parallel_loop3A_131 = tpu.vector_load %arg13[%parallel_loop3A_129, %parallel_loop3A_130] {strides = array<i32>} : memref<100x144xf32, #tpu.memory_space<vmem>>, vector<1x16xf32>,
        %parallel_loop3A_132 = vector.shape_cast %parallel_loop3A_131 : vector<1x16xf32> to vector<16xf32>
        %parallel_loop3A_133 = vector.shape_cast %parallel_loop3A_128 : vector<16xf32> to vector<1x16xf32>
        tpu.vector_store %arg13[%parallel_loop3A_129, %parallel_loop3A_130], %parallel_loop3A_133 {strides = array<i32>} : memref<100x144xf32, #tpu.memory_space<vmem>>, vector<1x16xf32>,
        %parallel_loop3A_134 = arith.index_cast %parallel_loop3A_56 : i32 to index
        %parallel_loop3A_135 = arith.constant 96 : index
        %parallel_loop3A_136 = tpu.vector_load %arg13[%parallel_loop3A_134, %parallel_loop3A_135] {strides = array<i32>} : memref<100x144xf32, #tpu.memory_space<vmem>>, vector<1x16xf32>,
        %parallel_loop3A_137 = vector.shape_cast %parallel_loop3A_136 : vector<1x16xf32> to vector<16xf32>
        %parallel_loop3A_138 = arith.mulf %parallel_loop3A_137, %parallel_loop3A_73 : vector<16xf32>
        %parallel_loop3A_139 = arith.index_cast %parallel_loop3A_56 : i32 to index
        %parallel_loop3A_140 = arith.constant 96 : index
        %parallel_loop3A_141 = tpu.vector_load %arg13[%parallel_loop3A_139, %parallel_loop3A_140] {strides = array<i32>} : memref<100x144xf32, #tpu.memory_space<vmem>>, vector<1x16xf32>,
        %parallel_loop3A_142 = vector.shape_cast %parallel_loop3A_141 : vector<1x16xf32> to vector<16xf32>
        %parallel_loop3A_143 = vector.shape_cast %parallel_loop3A_138 : vector<16xf32> to vector<1x16xf32>
        tpu.vector_store %arg13[%parallel_loop3A_139, %parallel_loop3A_140], %parallel_loop3A_143 {strides = array<i32>} : memref<100x144xf32, #tpu.memory_space<vmem>>, vector<1x16xf32>,
        %parallel_loop3A_144 = arith.index_cast %parallel_loop3A_56 : i32 to index
        %parallel_loop3A_145 = arith.constant 112 : index
        %parallel_loop3A_146 = tpu.vector_load %arg13[%parallel_loop3A_144, %parallel_loop3A_145] {strides = array<i32>} : memref<100x144xf32, #tpu.memory_space<vmem>>, vector<1x16xf32>,
        %parallel_loop3A_147 = vector.shape_cast %parallel_loop3A_146 : vector<1x16xf32> to vector<16xf32>
        %parallel_loop3A_148 = arith.mulf %parallel_loop3A_147, %parallel_loop3A_73 : vector<16xf32>
        %parallel_loop3A_149 = arith.index_cast %parallel_loop3A_56 : i32 to index
        %parallel_loop3A_150 = arith.constant 112 : index
        %parallel_loop3A_151 = tpu.vector_load %arg13[%parallel_loop3A_149, %parallel_loop3A_150] {strides = array<i32>} : memref<100x144xf32, #tpu.memory_space<vmem>>, vector<1x16xf32>,
        %parallel_loop3A_152 = vector.shape_cast %parallel_loop3A_151 : vector<1x16xf32> to vector<16xf32>
        %parallel_loop3A_153 = vector.shape_cast %parallel_loop3A_148 : vector<16xf32> to vector<1x16xf32>
        tpu.vector_store %arg13[%parallel_loop3A_149, %parallel_loop3A_150], %parallel_loop3A_153 {strides = array<i32>} : memref<100x144xf32, #tpu.memory_space<vmem>>, vector<1x16xf32>,
        %parallel_loop3A_154 = arith.index_cast %parallel_loop3A_56 : i32 to index
        %parallel_loop3A_155 = arith.constant 128 : index
        %parallel_loop3A_156 = tpu.vector_load %arg13[%parallel_loop3A_154, %parallel_loop3A_155] {strides = array<i32>} : memref<100x144xf32, #tpu.memory_space<vmem>>, vector<1x16xf32>,
        %parallel_loop3A_157 = vector.shape_cast %parallel_loop3A_156 : vector<1x16xf32> to vector<16xf32>
        %parallel_loop3A_158 = vector.shape_cast %parallel_loop3A_73 : vector<16xf32> to vector<1x16xf32>
        tpu.vector_store %arg13[%parallel_loop3A_154, %parallel_loop3A_155], %parallel_loop3A_158 {strides = array<i32>} : memref<100x144xf32, #tpu.memory_space<vmem>>, vector<1x16xf32>,
      } {sc.loop_unroll_factor = 4 : i64, sc.parallel_access}
      "tpu.region"() ({
        %run_scoped3A = tpu.sem_alloc : memref<!tpu.dma_semaphore, #tpu.memory_space<semaphore_mem>>
        %dma_start3A_56 = arith.constant 0 : i32
        %dma_start3A_57 = arith.constant 0 : i32
        %dma_start3A_58 = tpu.memref_slice %arg16[%dma_start3A_56, %dma_start3A_57] : memref<10240x144xf32, #tpu.memory_space<vmem_shared>> -> memref<10240x144xf32, #tpu.memory_space<vmem_shared>>
        tpu.enqueue_indirect_dma source(%arg13 : memref<100x144xf32, #tpu.memory_space<vmem>>) target(%dma_start3A_58 : memref<10240x144xf32, #tpu.memory_space<vmem_shared>>) offsets(%arg11 : memref<100xi32, #tpu.memory_space<vmem>>) semaphore(%run_scoped3A : memref<!tpu.dma_semaphore, #tpu.memory_space<semaphore_mem>>) {add = true}
        %dma_wait3A_59 = arith.constant 0 : i32
        %dma_wait3A_60 = arith.constant 0 : i32
        %dma_wait3A_61 = tpu.memref_slice %arg16[%dma_wait3A_59, %dma_wait3A_60] : memref<10240x144xf32, #tpu.memory_space<vmem_shared>> -> memref<10240x144xf32, #tpu.memory_space<vmem_shared>>
        tpu.wait_indirect_dma semaphore(%run_scoped3A : memref<!tpu.dma_semaphore, #tpu.memory_space<semaphore_mem>>) src(%arg13 : memref<100x144xf32, #tpu.memory_space<vmem>>) dst(%dma_wait3A_61 : memref<10240x144xf32, #tpu.memory_space<vmem_shared>>)
        tpu.yield
      }) : () -> ()
    }
    %scan3A_18 = arith.constant 50 : i32
    %barrier3A_19 = arith.constant 0 : index
    tpu.barrier barrier_id(%barrier3A_19)
    "tpu.region"() ({
      %run_scoped3A = tpu.sem_alloc : memref<!tpu.dma_semaphore, #tpu.memory_space<semaphore_mem>>
      %dma_start3A_20 = arith.constant 0 : i32
      %dma_start3A_21 = tpu.memref_slice %arg7[%arg0, %mul3A_2, %dma_start3A_20] : memref<2x10240x144xf32, #tpu.memory_space<hbm>> -> memref<1x640x144xf32, #tpu.memory_space<hbm>>
      %dma_start3A_22 = tpu.memref_squeeze %dma_start3A_21 : memref<1x640x144xf32, #tpu.memory_space<hbm>> -> memref<640x144xf32, #tpu.memory_space<hbm>>
      %dma_start3A_23 = arith.constant 0 : i32
      %dma_start3A_24 = tpu.memref_slice %arg16[%mul3A_2, %dma_start3A_23] : memref<10240x144xf32, #tpu.memory_space<vmem_shared>> -> memref<640x144xf32, #tpu.memory_space<vmem_shared>>
      tpu.enqueue_dma source(%dma_start3A_24 : memref<640x144xf32, #tpu.memory_space<vmem_shared>>) target(%dma_start3A_22 : memref<640x144xf32, #tpu.memory_space<hbm>>) target_semaphore(%run_scoped3A : memref<!tpu.dma_semaphore, #tpu.memory_space<semaphore_mem>>)
      %dma_wait3A = arith.constant 0 : i32
      %dma_wait3A_25 = tpu.memref_slice %arg7[%arg0, %mul3A_2, %dma_wait3A] : memref<2x10240x144xf32, #tpu.memory_space<hbm>> -> memref<1x640x144xf32, #tpu.memory_space<hbm>>
      %dma_wait3A_26 = tpu.memref_squeeze %dma_wait3A_25 : memref<1x640x144xf32, #tpu.memory_space<hbm>> -> memref<640x144xf32, #tpu.memory_space<hbm>>
      %dma_wait3A_27 = arith.constant 0 : i32
      %dma_wait3A_28 = tpu.memref_slice %arg16[%mul3A_2, %dma_wait3A_27] : memref<10240x144xf32, #tpu.memory_space<vmem_shared>> -> memref<640x144xf32, #tpu.memory_space<vmem_shared>>
      tpu.wait_dma2 semaphore(%run_scoped3A : memref<!tpu.dma_semaphore, #tpu.memory_space<semaphore_mem>>) src(%dma_wait3A_28 : memref<640x144xf32, #tpu.memory_space<vmem_shared>>) dst(%dma_wait3A_26 : memref<640x144xf32, #tpu.memory_space<hbm>>)
      tpu.yield
    }) : () -> ()
    return
  }
}

module attributes {stable_mosaic.version = 14 : i64} {
  func.func @_phase1_body(%arg0: i32, %arg1: memref<1000x128xf32, #tpu.memory_space<vmem>>, %arg2: memref<1x1000x1xi32, #tpu.memory_space<vmem>>, %arg3: memref<5x128x160xf32, #tpu.memory_space<vmem>>, %arg4: memref<128x128xf32, #tpu.memory_space<vmem>>, %arg5: memref<1x128xf32, #tpu.memory_space<vmem>>, %arg6: memref<1000x144xf32, #tpu.memory_space<vmem>>, %arg7: memref<1000x16xf32, #tpu.memory_space<vmem>>, %arg8: memref<1000x128xf32, #tpu.memory_space<vmem>>) attributes {dimension_semantics = [#tpu.dimension_semantics<arbitrary>], iteration_bounds = array<i64: 10>, scalar_prefetch = 0 : i64, scratch_operands = 0 : i64, tpu.core_type = #tpu.core_type<tc>, window_params = [{transform_indices = @transform_0, window_bounds = array<i64: 1000, 128>}, {transform_indices = @transform_1, window_bounds = array<i64: 1, 1000, 1>}, {pipeline_mode = #tpu.pipeline_mode<synchronous>, transform_indices = @transform_2, window_bounds = array<i64: 5, 128, 160>}, {pipeline_mode = #tpu.pipeline_mode<synchronous>, transform_indices = @transform_3, window_bounds = array<i64: 128, 128>}, {pipeline_mode = #tpu.pipeline_mode<synchronous>, transform_indices = @transform_4, window_bounds = array<i64: 1, 128>}, {transform_indices = @transform_5, window_bounds = array<i64: 1000, 144>}, {transform_indices = @transform_6, window_bounds = array<i64: 1000, 16>}, {transform_indices = @transform_7, window_bounds = array<i64: 1000, 128>}]} {
    %get3A = arith.constant 0 : index
    %get3A_0 = arith.constant 0 : index
    %get3A_1 = vector.load %arg1[%get3A, %get3A_0] : memref<1000x128xf32, #tpu.memory_space<vmem>>, vector<1000x128xf32>
    %get3A_2 = arith.constant 0 : index
    %get3A_3 = arith.constant 0 : index
    %get3A_4 = arith.constant 0 : index
    %get3A_5 = vector.load %arg2[%get3A_2, %get3A_3, %get3A_4] : memref<1x1000x1xi32, #tpu.memory_space<vmem>>, vector<1x1000x1xi32>
    %get3A_6 = vector.shape_cast %get3A_5 : vector<1x1000x1xi32> to vector<1000x1xi32>
    %broadcast_in_dim3A = arith.constant 0.000000e+00 : f32
    %broadcast_in_dim3A_7 = vector.broadcast %broadcast_in_dim3A : f32 to vector<1000x160xf32>
    %get3A_8 = arith.constant 0 : index
    %get3A_9 = arith.constant 0 : index
    %get3A_10 = arith.constant 0 : index
    %get3A_11 = vector.load %arg3[%get3A_8, %get3A_9, %get3A_10] : memref<5x128x160xf32, #tpu.memory_space<vmem>>, vector<1x128x160xf32>
    %get3A_12 = vector.shape_cast %get3A_11 : vector<1x128x160xf32> to vector<128x160xf32>
    %dot_general3A = arith.constant dense<0.000000e+00> : vector<1000x160xf32>
    %dot_general3A_13 = tpu.matmul %get3A_1, %get3A_12, %dot_general3A {dimension_numbers = #tpu.dot_dimension_numbers<[1], [0], [0], [1], [0, 0, 1, 1], [], []>, transpose_lhs_hint = false} : vector<1000x128xf32>, vector<128x160xf32>, vector<1000x160xf32> -> vector<1000x160xf32>
    %eq3A = arith.constant 0 : i32
    %eq3A_14 = vector.broadcast %eq3A : i32 to vector<1000x1xi32>
    %eq3A_15 = arith.cmpi eq, %get3A_6, %eq3A_14 : vector<1000x1xi32>
    %jit3A = arith.constant 0.000000e+00 : f32
    %broadcast_in_dim3A_16 = vector.shape_cast %eq3A_15 : vector<1000x1xi1> to vector<1000x1xi1>
    %broadcast_in_dim3A_17 = vector.broadcast %broadcast_in_dim3A_16 : vector<1000x1xi1> to vector<1000x160xi1>
    %broadcast_in_dim3A_18 = vector.broadcast %jit3A : f32 to vector<1000x160xf32>
    %select_n3A = arith.select %broadcast_in_dim3A_17, %dot_general3A_13, %broadcast_in_dim3A_18 : vector<1000x160xi1>, vector<1000x160xf32>
    %add3A = arith.addf %broadcast_in_dim3A_7, %select_n3A : vector<1000x160xf32>
    %get3A_19 = arith.constant 1 : index
    %get3A_20 = arith.constant 0 : index
    %get3A_21 = arith.constant 0 : index
    %get3A_22 = vector.load %arg3[%get3A_19, %get3A_20, %get3A_21] : memref<5x128x160xf32, #tpu.memory_space<vmem>>, vector<1x128x160xf32>
    %get3A_23 = vector.shape_cast %get3A_22 : vector<1x128x160xf32> to vector<128x160xf32>
    %dot_general3A_24 = arith.constant dense<0.000000e+00> : vector<1000x160xf32>
    %dot_general3A_25 = tpu.matmul %get3A_1, %get3A_23, %dot_general3A_24 {dimension_numbers = #tpu.dot_dimension_numbers<[1], [0], [0], [1], [0, 0, 1, 1], [], []>, transpose_lhs_hint = false} : vector<1000x128xf32>, vector<128x160xf32>, vector<1000x160xf32> -> vector<1000x160xf32>
    %eq3A_26 = arith.constant 1 : i32
    %eq3A_27 = vector.broadcast %eq3A_26 : i32 to vector<1000x1xi32>
    %eq3A_28 = arith.cmpi eq, %get3A_6, %eq3A_27 : vector<1000x1xi32>
    %jit3A_29 = arith.constant 0.000000e+00 : f32
    %broadcast_in_dim3A_30 = vector.shape_cast %eq3A_28 : vector<1000x1xi1> to vector<1000x1xi1>
    %broadcast_in_dim3A_31 = vector.broadcast %broadcast_in_dim3A_30 : vector<1000x1xi1> to vector<1000x160xi1>
    %broadcast_in_dim3A_32 = vector.broadcast %jit3A_29 : f32 to vector<1000x160xf32>
    %select_n3A_33 = arith.select %broadcast_in_dim3A_31, %dot_general3A_25, %broadcast_in_dim3A_32 : vector<1000x160xi1>, vector<1000x160xf32>
    %add3A_34 = arith.addf %add3A, %select_n3A_33 : vector<1000x160xf32>
    %get3A_35 = arith.constant 2 : index
    %get3A_36 = arith.constant 0 : index
    %get3A_37 = arith.constant 0 : index
    %get3A_38 = vector.load %arg3[%get3A_35, %get3A_36, %get3A_37] : memref<5x128x160xf32, #tpu.memory_space<vmem>>, vector<1x128x160xf32>
    %get3A_39 = vector.shape_cast %get3A_38 : vector<1x128x160xf32> to vector<128x160xf32>
    %dot_general3A_40 = arith.constant dense<0.000000e+00> : vector<1000x160xf32>
    %dot_general3A_41 = tpu.matmul %get3A_1, %get3A_39, %dot_general3A_40 {dimension_numbers = #tpu.dot_dimension_numbers<[1], [0], [0], [1], [0, 0, 1, 1], [], []>, transpose_lhs_hint = false} : vector<1000x128xf32>, vector<128x160xf32>, vector<1000x160xf32> -> vector<1000x160xf32>
    %eq3A_42 = arith.constant 2 : i32
    %eq3A_43 = vector.broadcast %eq3A_42 : i32 to vector<1000x1xi32>
    %eq3A_44 = arith.cmpi eq, %get3A_6, %eq3A_43 : vector<1000x1xi32>
    %jit3A_45 = arith.constant 0.000000e+00 : f32
    %broadcast_in_dim3A_46 = vector.shape_cast %eq3A_44 : vector<1000x1xi1> to vector<1000x1xi1>
    %broadcast_in_dim3A_47 = vector.broadcast %broadcast_in_dim3A_46 : vector<1000x1xi1> to vector<1000x160xi1>
    %broadcast_in_dim3A_48 = vector.broadcast %jit3A_45 : f32 to vector<1000x160xf32>
    %select_n3A_49 = arith.select %broadcast_in_dim3A_47, %dot_general3A_41, %broadcast_in_dim3A_48 : vector<1000x160xi1>, vector<1000x160xf32>
    %add3A_50 = arith.addf %add3A_34, %select_n3A_49 : vector<1000x160xf32>
    %get3A_51 = arith.constant 3 : index
    %get3A_52 = arith.constant 0 : index
    %get3A_53 = arith.constant 0 : index
    %get3A_54 = vector.load %arg3[%get3A_51, %get3A_52, %get3A_53] : memref<5x128x160xf32, #tpu.memory_space<vmem>>, vector<1x128x160xf32>
    %get3A_55 = vector.shape_cast %get3A_54 : vector<1x128x160xf32> to vector<128x160xf32>
    %dot_general3A_56 = arith.constant dense<0.000000e+00> : vector<1000x160xf32>
    %dot_general3A_57 = tpu.matmul %get3A_1, %get3A_55, %dot_general3A_56 {dimension_numbers = #tpu.dot_dimension_numbers<[1], [0], [0], [1], [0, 0, 1, 1], [], []>, transpose_lhs_hint = false} : vector<1000x128xf32>, vector<128x160xf32>, vector<1000x160xf32> -> vector<1000x160xf32>
    %eq3A_58 = arith.constant 3 : i32
    %eq3A_59 = vector.broadcast %eq3A_58 : i32 to vector<1000x1xi32>
    %eq3A_60 = arith.cmpi eq, %get3A_6, %eq3A_59 : vector<1000x1xi32>
    %jit3A_61 = arith.constant 0.000000e+00 : f32
    %broadcast_in_dim3A_62 = vector.shape_cast %eq3A_60 : vector<1000x1xi1> to vector<1000x1xi1>
    %broadcast_in_dim3A_63 = vector.broadcast %broadcast_in_dim3A_62 : vector<1000x1xi1> to vector<1000x160xi1>
    %broadcast_in_dim3A_64 = vector.broadcast %jit3A_61 : f32 to vector<1000x160xf32>
    %select_n3A_65 = arith.select %broadcast_in_dim3A_63, %dot_general3A_57, %broadcast_in_dim3A_64 : vector<1000x160xi1>, vector<1000x160xf32>
    %add3A_66 = arith.addf %add3A_50, %select_n3A_65 : vector<1000x160xf32>
    %get3A_67 = arith.constant 4 : index
    %get3A_68 = arith.constant 0 : index
    %get3A_69 = arith.constant 0 : index
    %get3A_70 = vector.load %arg3[%get3A_67, %get3A_68, %get3A_69] : memref<5x128x160xf32, #tpu.memory_space<vmem>>, vector<1x128x160xf32>
    %get3A_71 = vector.shape_cast %get3A_70 : vector<1x128x160xf32> to vector<128x160xf32>
    %dot_general3A_72 = arith.constant dense<0.000000e+00> : vector<1000x160xf32>
    %dot_general3A_73 = tpu.matmul %get3A_1, %get3A_71, %dot_general3A_72 {dimension_numbers = #tpu.dot_dimension_numbers<[1], [0], [0], [1], [0, 0, 1, 1], [], []>, transpose_lhs_hint = false} : vector<1000x128xf32>, vector<128x160xf32>, vector<1000x160xf32> -> vector<1000x160xf32>
    %eq3A_74 = arith.constant 4 : i32
    %eq3A_75 = vector.broadcast %eq3A_74 : i32 to vector<1000x1xi32>
    %eq3A_76 = arith.cmpi eq, %get3A_6, %eq3A_75 : vector<1000x1xi32>
    %jit3A_77 = arith.constant 0.000000e+00 : f32
    %broadcast_in_dim3A_78 = vector.shape_cast %eq3A_76 : vector<1000x1xi1> to vector<1000x1xi1>
    %broadcast_in_dim3A_79 = vector.broadcast %broadcast_in_dim3A_78 : vector<1000x1xi1> to vector<1000x160xi1>
    %broadcast_in_dim3A_80 = vector.broadcast %jit3A_77 : f32 to vector<1000x160xf32>
    %select_n3A_81 = arith.select %broadcast_in_dim3A_79, %dot_general3A_73, %broadcast_in_dim3A_80 : vector<1000x160xi1>, vector<1000x160xf32>
    %add3A_82 = arith.addf %add3A_66, %select_n3A_81 : vector<1000x160xf32>
    %slice3A = vector.extract_strided_slice %add3A_82 {offsets = [0, 0], sizes = [1000, 144], strides = [1, 1]} : vector<1000x160xf32> to vector<1000x144xf32>
    %swap3A = arith.constant 0 : index
    %swap3A_83 = arith.constant 0 : index
    %swap3A_84 = vector.load %arg6[%swap3A, %swap3A_83] : memref<1000x144xf32, #tpu.memory_space<vmem>>, vector<1000x144xf32>
    tpu.vector_store %arg6[%swap3A, %swap3A_83], %slice3A {strides = array<i32>} : memref<1000x144xf32, #tpu.memory_space<vmem>>, vector<1000x144xf32>,
    %slice3A_85 = vector.extract_strided_slice %add3A_82 {offsets = [0, 144], sizes = [1000, 16], strides = [1, 1]} : vector<1000x160xf32> to vector<1000x16xf32>
    %swap3A_86 = arith.constant 0 : index
    %swap3A_87 = arith.constant 0 : index
    %swap3A_88 = vector.load %arg7[%swap3A_86, %swap3A_87] : memref<1000x16xf32, #tpu.memory_space<vmem>>, vector<1000x16xf32>
    tpu.vector_store %arg7[%swap3A_86, %swap3A_87], %slice3A_85 {strides = array<i32>} : memref<1000x16xf32, #tpu.memory_space<vmem>>, vector<1000x16xf32>,
    %get3A_89 = arith.constant 0 : index
    %get3A_90 = arith.constant 0 : index
    %get3A_91 = vector.load %arg4[%get3A_89, %get3A_90] : memref<128x128xf32, #tpu.memory_space<vmem>>, vector<128x128xf32>
    %dot_general3A_92 = arith.constant dense<0.000000e+00> : vector<1000x128xf32>
    %dot_general3A_93 = tpu.matmul %get3A_1, %get3A_91, %dot_general3A_92 {dimension_numbers = #tpu.dot_dimension_numbers<[1], [0], [0], [1], [0, 0, 1, 1], [], []>, transpose_lhs_hint = false} : vector<1000x128xf32>, vector<128x128xf32>, vector<1000x128xf32> -> vector<1000x128xf32>
    %get3A_94 = arith.constant 0 : index
    %get3A_95 = arith.constant 0 : index
    %get3A_96 = vector.load %arg5[%get3A_94, %get3A_95] : memref<1x128xf32, #tpu.memory_space<vmem>>, vector<1x128xf32>
    %add3A_97 = vector.broadcast %get3A_96 : vector<1x128xf32> to vector<1000x128xf32>
    %add3A_98 = arith.addf %dot_general3A_93, %add3A_97 : vector<1000x128xf32>
    %swap3A_99 = arith.constant 0 : index
    %swap3A_100 = arith.constant 0 : index
    %swap3A_101 = vector.load %arg8[%swap3A_99, %swap3A_100] : memref<1000x128xf32, #tpu.memory_space<vmem>>, vector<1000x128xf32>
    tpu.vector_store %arg8[%swap3A_99, %swap3A_100], %add3A_98 {strides = array<i32>} : memref<1000x128xf32, #tpu.memory_space<vmem>>, vector<1000x128xf32>,
    return
  }
  func.func @transform_0(%arg0: i32) -> (i32, i32) {
    %c0_i32 = arith.constant 0 : i32
    %c0_i32_0 = arith.constant 0 : i32
    return %arg0, %c0_i32 : i32, i32
  }
  func.func @transform_1(%arg0: i32) -> (i32, i32, i32) {
    %c0_i32 = arith.constant 0 : i32
    %c0_i32_0 = arith.constant 0 : i32
    %c0_i32_1 = arith.constant 0 : i32
    return %arg0, %c0_i32, %c0_i32_0 : i32, i32, i32
  }
  func.func @transform_2(%arg0: i32) -> (i32, i32, i32) {
    %c0_i32 = arith.constant 0 : i32
    %c0_i32_0 = arith.constant 0 : i32
    %c0_i32_1 = arith.constant 0 : i32
    %c0_i32_2 = arith.constant 0 : i32
    return %c0_i32, %c0_i32_0, %c0_i32_1 : i32, i32, i32
  }
  func.func @transform_3(%arg0: i32) -> (i32, i32) {
    %c0_i32 = arith.constant 0 : i32
    %c0_i32_0 = arith.constant 0 : i32
    %c0_i32_1 = arith.constant 0 : i32
    return %c0_i32, %c0_i32_0 : i32, i32
  }
  func.func @transform_4(%arg0: i32) -> (i32, i32) {
    %c0_i32 = arith.constant 0 : i32
    %c0_i32_0 = arith.constant 0 : i32
    %c0_i32_1 = arith.constant 0 : i32
    return %c0_i32, %c0_i32_0 : i32, i32
  }
  func.func @transform_5(%arg0: i32) -> (i32, i32) {
    %c0_i32 = arith.constant 0 : i32
    %c0_i32_0 = arith.constant 0 : i32
    return %arg0, %c0_i32 : i32, i32
  }
  func.func @transform_6(%arg0: i32) -> (i32, i32) {
    %c0_i32 = arith.constant 0 : i32
    %c0_i32_0 = arith.constant 0 : i32
    return %arg0, %c0_i32 : i32, i32
  }
  func.func @transform_7(%arg0: i32) -> (i32, i32) {
    %c0_i32 = arith.constant 0 : i32
    %c0_i32_0 = arith.constant 0 : i32
    return %arg0, %c0_i32 : i32, i32
  }
}

module attributes {stable_mosaic.version = 14 : i64} {
  func.func @_phase3_body(%arg0: i32, %arg1: memref<2x1000x144xf32, #tpu.memory_space<vmem>>, %arg2: memref<1000x128xf32, #tpu.memory_space<vmem>>, %arg3: memref<1000x128xf32, #tpu.memory_space<vmem>>) attributes {dimension_semantics = [#tpu.dimension_semantics<arbitrary>], iteration_bounds = array<i64: 10>, scalar_prefetch = 0 : i64, scratch_operands = 0 : i64, tpu.core_type = #tpu.core_type<tc>, window_params = [{transform_indices = @transform_0, window_bounds = array<i64: 2, 1000, 144>}, {transform_indices = @transform_1, window_bounds = array<i64: 1000, 128>}, {transform_indices = @transform_2, window_bounds = array<i64: 1000, 128>}]} {
    %get3A = arith.constant 0 : index
    %get3A_0 = arith.constant 0 : index
    %get3A_1 = arith.constant 0 : index
    %get3A_2 = vector.load %arg1[%get3A, %get3A_0, %get3A_1] : memref<2x1000x144xf32, #tpu.memory_space<vmem>>, vector<1x1000x144xf32>
    %get3A_3 = vector.shape_cast %get3A_2 : vector<1x1000x144xf32> to vector<1000x144xf32>
    %get3A_4 = arith.constant 1 : index
    %get3A_5 = arith.constant 0 : index
    %get3A_6 = arith.constant 0 : index
    %get3A_7 = vector.load %arg1[%get3A_4, %get3A_5, %get3A_6] : memref<2x1000x144xf32, #tpu.memory_space<vmem>>, vector<1x1000x144xf32>
    %get3A_8 = vector.shape_cast %get3A_7 : vector<1x1000x144xf32> to vector<1000x144xf32>
    %add3A = arith.addf %get3A_3, %get3A_8 : vector<1000x144xf32>
    %slice3A = vector.extract_strided_slice %add3A {offsets = [0, 0], sizes = [1000, 128], strides = [1, 1]} : vector<1000x144xf32> to vector<1000x128xf32>
    %slice3A_9 = vector.extract_strided_slice %add3A {offsets = [0, 128], sizes = [1000, 16], strides = [1, 1]} : vector<1000x144xf32> to vector<1000x16xf32>
    %gt3A = arith.constant 0.000000e+00 : f32
    %gt3A_10 = vector.broadcast %gt3A : f32 to vector<1000x16xf32>
    %gt3A_11 = arith.cmpf ogt, %slice3A_9, %gt3A_10 : vector<1000x16xf32>
    %div3A = arith.constant 1.000000e+00 : f32
    %div3A_12 = vector.broadcast %div3A : f32 to vector<1000x16xf32>
    %div3A_13 = arith.divf %div3A_12, %slice3A_9 : vector<1000x16xf32>
    %jit3A = arith.constant 0.000000e+00 : f32
    %broadcast_in_dim3A = vector.broadcast %jit3A : f32 to vector<1000x16xf32>
    %select_n3A = arith.select %gt3A_11, %div3A_13, %broadcast_in_dim3A : vector<1000x16xi1>, vector<1000x16xf32>
    %concatenate3A = tpu.concatenate %select_n3A, %select_n3A, %select_n3A, %select_n3A, %select_n3A, %select_n3A, %select_n3A, %select_n3A in 1 : vector<1000x16xf32>, vector<1000x16xf32>, vector<1000x16xf32>, vector<1000x16xf32>, vector<1000x16xf32>, vector<1000x16xf32>, vector<1000x16xf32>, vector<1000x16xf32> -> vector<1000x128xf32>
    %mul3A = arith.mulf %slice3A, %concatenate3A : vector<1000x128xf32>
    %get3A_14 = arith.constant 0 : index
    %get3A_15 = arith.constant 0 : index
    %get3A_16 = vector.load %arg2[%get3A_14, %get3A_15] : memref<1000x128xf32, #tpu.memory_space<vmem>>, vector<1000x128xf32>
    %add3A_17 = arith.addf %mul3A, %get3A_16 : vector<1000x128xf32>
    %swap3A = arith.constant 0 : index
    %swap3A_18 = arith.constant 0 : index
    %swap3A_19 = vector.load %arg3[%swap3A, %swap3A_18] : memref<1000x128xf32, #tpu.memory_space<vmem>>, vector<1000x128xf32>
    tpu.vector_store %arg3[%swap3A, %swap3A_18], %add3A_17 {strides = array<i32>} : memref<1000x128xf32, #tpu.memory_space<vmem>>, vector<1000x128xf32>,
    return
  }
  func.func @transform_0(%arg0: i32) -> (i32, i32, i32) {
    %c0_i32 = arith.constant 0 : i32
    %c0_i32_0 = arith.constant 0 : i32
    %c0_i32_1 = arith.constant 0 : i32
    return %c0_i32, %arg0, %c0_i32_0 : i32, i32, i32
  }
  func.func @transform_1(%arg0: i32) -> (i32, i32) {
    %c0_i32 = arith.constant 0 : i32
    %c0_i32_0 = arith.constant 0 : i32
    return %arg0, %c0_i32 : i32, i32
  }
  func.func @transform_2(%arg0: i32) -> (i32, i32) {
    %c0_i32 = arith.constant 0 : i32
    %c0_i32_0 = arith.constant 0 : i32
    return %arg0, %c0_i32 : i32, i32
  }
}

</mosaic_0001>

<sc_bundles>
// kernel: kernel.5.cloned.1.call-start
scs
__scs_entry_jumppad:
0x0: {  	(pc) =	sbr.rel $0x88, $3  }
0x1: {  	(tag) =	ssettag $0x0;
	lr =	simm.s32 $0x1  }
0x2: {  	[smem:$0x3F99] =	sst lr;
	_ =	strace $0xD0000000  }
0x3: {  	_ = 	snop  }
0x4: {  	_ = 	snop  }
0x5: {  	_ = 	snop  }
0x6: {  	_ = 	snop  }
0x7: {  	_ = 	snop  }
__scs_overlays_trampoline_lowered:
0x8: {  	[smem:$0x3FA8] =	sst s0  }
0x9: {  	[smem:$0x3FA9] =	sst s1  }
0xa: {  	[smem:$0x3FAA] =	sst s2  }
0xb: {  	[smem:$0x3FAB] =	sst s3  }
0xc: {  	[smem:$0x3FAC] =	sst s4  }
0xd: {  	[smem:$0x3FAD] =	sst s5  }
0xe: {  	[smem:$0x3FAE] =	sst s6  }
0xf: {  	[smem:$0x3FAF] =	sst s7  }
0x10: {  	[smem:$0x3FB0] =	sst s8  }
0x11: {  	[smem:$0x3FB1] =	sst s9;
	s0 =	simm.s32 @!p0 $0x0  }
0x12: {  	s1 =	sld [smem:$0x3F97];
	s0 =	simm.s32 @p0 $0x1  }
0x13: {  	[smem:$0x3FB2] =	sst s0;
	s0 =	simm.s32 @!p1 $0x0  }
0x14: {  	s2 =	sld [smem:$0x3F96];
	s0 =	simm.s32 @p1 $0x1  }
0x15: {  	[smem:$0x3FB3] =	sst s0;
	s0 =	simm.s32 @!p2 $0x0  }
0x16: {  	s3 =	sld [smem:$0x3FDB];
	s0 =	simm.s32 @p2 $0x1  }
0x17: {  	s4 =	simm.s32 $0x1BF5;
	[smem:$0x3FB5] =	sst s0  }
0x18: {  	s0 =	sld [smem:$0x3F98];
	_ =	swait.ge [sflag:s4], $0x0  }
0x19: {  	s7 =	sld [smem:$0x3F99]  }
0x1a: {  	s8 =	sadd.s32 $0xFFFFE003, lr  }
0x1b: {  	s9 =	sadd.s32 $0xFFFFFEF7, lr;
	s5 =	simm.s32 $0xFFFFFFFF;
	p2 =	slt.u32 s8, $0xFFFFF086  }
0x1c: {  	p1 =	slt.u32 s9, $0xF7A;
	s5 =	simm.s32 @!p2 $0x0  }
0x1d: {  	s5 =	simm.s32 @p1 $0x1;
	p0 =	seq.s32 s7, s2  }
0x1e: {  	s7 =	smul.u32 @!p0 $0xF7A, s2;
	p2 =	seq.s32 @!p0 s5, $0x0  }
0x1f: {  	s9 =	smul.u32 $0xF7A, s1;
	s8 =	simm.s32 @!p0 $0x1BF5;
	p2 =	por !p2, p0  }
0x20: {  	[sflag:s8] =	ssyncset.s32 @!p0 $0xFFFFF086;
	s6 =	sadd.s32 @!p0 s3, s7;
	s7 =	simm.s32 @!p0 $0x108  }
0x21: {  	s3 =	sadd.s32 s3, s9;
	s6 =	sadd.s32 @!p0 $0x88, s6;
	s7 =	simm.s32 @p2 $0x1082  }
0x22: {  	[simem:s7], [sflag:s8] =	dma.local @!p0 [hbm:s6], $0xF7A  }
0x23: {  	s9 =	sor.u32 $0xD0000000, s2;
	s6 =	simm.s32 $0x108;
	_ =	swait.ge @!p0 [sflag:s8], $0x0  }
0x24: {  	s3 =	sadd.s32 $0x88, s3;
	s6 =	simm.s32 @!p1 $0x1082;
	[sflag:s4] =	ssyncset.s32 $0xFFFFF086  }
0x25: {  	[simem:s6], [sflag:s4] =	dma.local [hbm:s3], $0xF7A  }
0x26: {  	[smem:$0x3F99] =	sst s1;
	(tag) =	ssettag s2;
	_ =	strace s9  }
0x27: {  	s1 =	sld [smem:$0x3FA9]  }
0x28: {  	s2 =	sld [smem:$0x3FAA]  }
0x29: {  	s4 =	sld [smem:$0x3FAC]  }
0x2a: {  	p0 =	seq.s32 s5, $0x0;
	s5 =	sld [smem:$0x3FAD]  }
0x2b: {  	s6 =	sld [smem:$0x3FAE]  }
0x2c: {  	s7 =	sld [smem:$0x3FAF]  }
0x2d: {  	s3 =	simm.s32 $0x108;
	s8 =	sld [smem:$0x3FB0]  }
0x2e: {  	s3 =	simm.s32 @!p0 $0x1082;
	s9 =	sld [smem:$0x3FB1]  }
0x2f: {  	lr =	sadd.s32 s0, s3;
	s0 =	sld [smem:$0x3FA8]  }
0x30: {  	s3 =	sld [smem:$0x3FAB]  }
0x31: {  	[smem:$0x3FB4] =	sst s10  }
0x32: {  	s10 =	sld [smem:$0x3FB2];
	_ =	sdelay $0x3  }
0x33: {  	p0 =	seq.s32 s10, $0x1;
	s10 =	sld [smem:$0x3FB4];
	_ =	sdelay $0x3  }
0x34: {  	[smem:$0x3FB4] =	sst s10  }
0x35: {  	s10 =	sld [smem:$0x3FB3];
	_ =	sdelay $0x3  }
0x36: {  	p1 =	seq.s32 s10, $0x1;
	s10 =	sld [smem:$0x3FB4];
	_ =	sdelay $0x3  }
0x37: {  	[smem:$0x3FB4] =	sst s10  }
0x38: {  	s10 =	sld [smem:$0x3FB5]  }
0x39: {  	_ = 	snop;
	(pc) =	sbr.ind lr, $3  }
0x3a: {  	_ = 	snop  }
0x3b: {  	_ = 	snop  }
0x3c: {  	p2 =	seq.s32 s10, $0x1;
	s10 =	sld [smem:$0x3FB4]  }
0x3d: {  	_ =	shalt  }
0x3e: {  	_ =	shalt  }
0x3f: {  	_ =	shalt  }
0x40: {  	_ =	shalt  }
0x41: {  	_ =	shalt  }
0x42: {  	_ =	shalt  }
0x43: {  	_ =	shalt  }
0x44: {  	_ =	shalt  }
0x45: {  	_ =	shalt  }
0x46: {  	_ =	shalt  }
0x47: {  	_ =	shalt  }
0x48: {  	_ =	shalt  }
0x49: {  	_ =	shalt  }
0x4a: {  	_ =	shalt  }
0x4b: {  	_ =	shalt  }
0x4c: {  	_ =	shalt  }
0x4d: {  	_ =	shalt  }
0x4e: {  	_ =	shalt  }
0x4f: {  	_ =	shalt  }
0x50: {  	_ =	shalt  }
0x51: {  	_ =	shalt  }
0x52: {  	_ =	shalt  }
0x53: {  	_ =	shalt  }
0x54: {  	_ =	shalt  }
0x55: {  	_ =	shalt  }
0x56: {  	_ =	shalt  }
0x57: {  	_ =	shalt  }
0x58: {  	_ =	shalt  }
0x59: {  	_ =	shalt  }
0x5a: {  	_ =	shalt  }
0x5b: {  	_ =	shalt  }
0x5c: {  	_ =	shalt  }
0x5d: {  	_ =	shalt  }
0x5e: {  	_ =	shalt  }
0x5f: {  	_ =	shalt  }
0x60: {  	_ =	shalt  }
0x61: {  	_ =	shalt  }
0x62: {  	_ =	shalt  }
0x63: {  	_ =	shalt  }
0x64: {  	_ =	shalt  }
0x65: {  	_ =	shalt  }
0x66: {  	_ =	shalt  }
0x67: {  	_ =	shalt  }
0x68: {  	_ =	shalt  }
0x69: {  	_ =	shalt  }
0x6a: {  	_ =	shalt  }
0x6b: {  	_ =	shalt  }
0x6c: {  	_ =	shalt  }
0x6d: {  	_ =	shalt  }
0x6e: {  	_ =	shalt  }
0x6f: {  	_ =	shalt  }
0x70: {  	_ =	shalt  }
0x71: {  	_ =	shalt  }
0x72: {  	_ =	shalt  }
0x73: {  	_ =	shalt  }
0x74: {  	_ =	shalt  }
0x75: {  	_ =	shalt  }
0x76: {  	_ =	shalt  }
0x77: {  	_ =	shalt  }
0x78: {  	_ =	shalt  }
0x79: {  	_ =	shalt  }
0x7a: {  	_ =	shalt  }
0x7b: {  	_ =	shalt  }
0x7c: {  	_ =	shalt  }
0x7d: {  	_ =	shalt  }
0x7e: {  	_ =	shalt  }
0x7f: {  	_ =	shalt  }
0x80: {  	_ =	shalt  }
0x81: {  	_ =	shalt  }
0x82: {  	_ =	shalt  }
0x83: {  	_ =	shalt  }
0x84: {  	_ =	shalt  }
0x85: {  	_ =	shalt  }
0x86: {  	_ =	shalt  }
0x87: {  	_ =	shalt  }
.Lfunc_end0:
.L_simem_size_0:
called_computation_lowered:
.L_overlay_start_0:
0x88: {  	s2 =	sld [smem:$0x3FD9]  }
0x89: {  	s3 =	sld [smem:$0x3FFE];
	_ =	sdelay $0x1  }
0x8a: {  	s1 =	srdreg.scid  }
0x8b: {  	s0 =	sand.u32 $0x1, s1  }
0x8c: {  	s17 =	sshll.u32 s0, $0xA;
	s2 =	sadd.s32 s3, s2  }
0x8d: {  	s2 =	sadd.s32 s2, s17  }
0x8e: {  	[smem:$0x3FC0] =	sst s2  }
0x8f: {  	_ = 	snop  }
0x90: {  	s2 =	sld [smem:$0x3FD0];
	(tm) =	ssettm $0x1  }
0x91: {  	s18 =	sld [smem:$0x3FFB];
	_ =	sdelay $0x3  }
0x92: {  	_ =	strace s18  }
0x93: {  	s3 =	sld [smem:$0x3FFC];
	_ =	sdelay $0x3  }
0x94: {  	_ =	strace s3  }
0x95: {  	s3 =	sld [smem:$0x3FFD];
	_ =	sdelay $0x3  }
0x96: {  	_ =	strace s3  }
0x97: {  	_ =	strace $0x8FFFFFFF  }
0x98: {  	s19 =	sld [smem:$0x3FDB];
	_ =	sdelay $0x1  }
0x99: {  	s4 =	simm.s32 $_scs_section_size  }
0x9a: {  	s5 =	simm.s32 $_size__tile_overlayer_lowered;
	s6 =	simm.s32 $_tile_overlayer_lowered  }
0x9b: {  	s22 =	simm.s32 $0x1BFF;
	s21 =	sshll.u32 s6, $0x1;
	s3 =	sadd.s32 s4, s19  }
0x9c: {  	s7 =	simm.s32 $0x0;
	s20 =	sshll.u32 s5, $0x1;
	s5 =	sadd.s32 s21, s3  }
0x9d: {  	[timem:s7], [sflag:s22] =	dma.local [hbm:s5], s20  }
0x9e: {  	_ =	swait.ge [sflag:s22], s20  }
0x9f: {  	s4 =	ssub.s32 $0x0, s20;
	[sflag:s22] =	ssyncset.done $0x0  }
0xa0: {  	[sflag:s22] =	ssyncadd.s32 s4;
	_ =	sdelay $0x1  }
0xa1: {  	s23 =	simm.s32 $0x1B8B  }
0xa2: {  	_ =	swait.ge [sflag:s23], $0x1  }
0xa3: {  	[sflag:s23] =	ssyncset.done $0x0  }
0xa4: {  	s25 =	simm.s32 $0x1B8E;
	s24 =	sld [smem:$0x3FFE];
	[sflag:s23] =	ssyncadd.s32 $0xFFFFFFFF  }
0xa5: {  	s26 =	simm.s32 $execute0_lowered;
	[smem:$0x3FD2] =	sst s25  }
0xa6: {  	s5 =	sshll.u32 s26, $0x1;
	_ =	strace $0x80000046;
	[dreg:$0x1] =	wrdreg $0xFFFFFFFF  }
0xa7: {  	s28 =	simm.s32 $_size_execute0_lowered;
	s3 =	sadd.s32 s3, s5;
	[dreg:$0x0] =	wrdreg $0x0  }
0xa8: {  	s5 =	sshll.u32 s28, $0x1;
	[dreg:$0x2] =	wrdreg s3  }
0xa9: {  	[dreg:$0x3] =	wrdreg s5  }
0xaa: {  	[dreg:$0x4] =	wrdreg $0xC0  }
0xab: {  	_ =	task [dreg:s7], $0x5FFFF  }
0xac: {  	[dreg:$0x1] =	wrdreg $0xFFFFFFFF  }
0xad: {  	[dreg:$0x0] =	wrdreg $0x60  }
0xae: {  	[dreg:$0x2] =	wrdreg s24  }
0xaf: {  	[dreg:$0x3] =	wrdreg s2  }
0xb0: {  	[dreg:$0x4] =	wrdreg $0x7EA00  }
0xb1: {  	[dreg:$0x5] =	wrdreg $0x9  }
0xb2: {  	_ =	task.clear_ibuf [dreg:s7], $0x6FFFF;
	_ =	strace $0x90000046  }
0xb3: {  	s29 =	simm.s32 $0x9;
	_ =	strace $0x80000048  }
0xb4: {  	_ =	swait.ge [sflag:s29], $0x1  }
0xb5: {  	[sflag:s29] =	ssyncadd.s32 $0xFFFFFFFF  }
0xb6: {  	_ =	strace $0x90000048  }
0xb7: {  	_ =	sfence  }
0xb8: {  	s30 =	sld [smem:$0x0];
	_ =	sdelay $0x2  }
0xb9: {  	s31 =	sshll.u32 s1, $0xD;
	s1 =	sshrl.u32 s1, $0x2  }
0xba: {  	s3 =	sand.u32 $0x4000, s31;
	s1 =	sadd.s32 s1, s30  }
0xbb: {  	s0 =	sor.u32 s3, s0;
	s1 =	sshll.u32 s1, $0x11  }
0xbc: {  	s0 =	sor.u32 s1, s0  }
0xbd: {  	s0 =	sadd.s32 $0x8F2B, s0  }
0xbe: {  	[sflag:s0] =	ssyncadd.remote.s32 $0x1  }
0xbf: {  	_ =	sfence.sel $0xFFFF  }
0xc0: {  	[dreg:$0x0] =	wrdreg $0xFFFFFFFF;
	(pc) =	sbr.abs _section_cstart, $3  }
0xc1: {  	[dreg:$0x1] =	wrdreg $0xFFFFFFFF  }
0xc2: {  	_ =	task.clear_ibuf [dreg:s7], $0x2FFFF;
	_ =	strace $0x9FFFFFFF  }
0xc3: {  	(tm) =	ssettm $0x7FFFFFFF  }
tec
execute0_lowered:
.L_overlay_start_1:
0x0: {  	(tag) =	ssettag $0x1  }
0x1: {  	s0 =	rddreg [dreg:$0x0]  }
0x2: {  	s1 =	rddreg [dreg:$0x1]  }
0x3: {  	s3 =	rddreg [dreg:$0x2];
	s4 =	simm.s32 $0x0  }
0x4: {  	s13 =	stileid.u32;
	s5 =	srdreg.scid;
	s17 =	simm.s32 $0x3  }
0x5: {  	s18 =	simm.s32 $0xD0;
	s19 =	simm.s32 $0x64;
	s20 =	simm.s32 $0x1A0  }
0x6: {  	s22 =	simm.s32 $0x68;
	s23 =	simm.s32 $0x138;
	s24 =	simm.s32 $0x39E0  }
0x7: {  	s25 =	simm.s32 $0x7860;
	s26 =	simm.s32 $0x1;
	s28 =	simm.s32 $0x2  }
0x8: {  	s29 =	simm.s32 $0x0;
	[smem:$0x7FF] =	sst s4;
	s2 =	smul.u32 $0x16800, s13  }
0x9: {  	s8 =	sand.u32 $0x1, s5;
	s5 =	sadd.s32 $0x58800, s0;
	s6 =	sadd.s32 $0xA600, s0  }
0xa: {  	s7 =	sadd.s32 $0x200, s0;
	s31 =	sshll.u32 s13, $0x6;
	_ =	strace $0x80000047  }
0xb: {  	s10 =	smul.u32 $0x168000, s8;
	s11 =	ssub.s32 $0x2, s8;
	s8 =	sshll.u32 s8, $0x4  }
0xc: {  	s9 =	sshrl.u32 s2, $0x3;
	s12 =	sshrl.u32 s11, $0x1;
	s8 =	sor.u32 s13, s8  }
0xd: {  	s9 =	sadd.s32 s9, s0;
	s10 =	sadd.s32 s2, s10;
	s30 =	smul.u32 $0x514, s8  }
0xe: {  	s15 =	ssub.s32 s11, s12;
	s2 =	sadd.s32 s2, s3;
	s8 =	smul.u32 $0x64, s8  }
0xf: {  	s10 =	sshrl.u32 s10, $0x3;
	s9 =	sadd.s32 $0xF600, s9;
	s15 =	smax.u32 s15, $0x1  }
0x10: {  	s16 =	sshrl.u32 s2, $0x3;
	s0 =	sadd.s32 s10, s0;
	[dreg:$0x4] =	wrdreg s9  }
0x11: {  	s9 =	sor.u32 $0x1C03, s31;
	s10 =	sadd.s32 s1, s30;
	s11 =	sadd.s32 s7, s30  }
0x12: {  	s12 =	sor.u32 $0x1, s8;
	s13 =	sor.u32 $0x2, s8;
	s14 =	sadd.s32 $0x84800, s0  }
.LBB2_1:
0x13: {  	s0 =	rddreg [dreg:$0x4]  }
0x14: {  	[spmem:s16], [sflag:s9] =	dma.local [hbm:s0], $0x2D00  }
0x15: {  	_ =	swait.ge [sflag:s17], $0x2D00  }
0x16: {  	[sflag:s17] =	ssyncset.done $0x0  }
0x17: {  	[sflag:s17] =	ssyncadd.s32 $0xFFFFD300  }
0x18: {  	[bflag:$0x0] =	sbarrier.arrive $0xFFFF  }
0x19: {  	[tilespmem:s4], [sflag:$0x3] =	stream.linear.gather [hbm4b:s10+s4], $0x68, $0x38;
	[tilespmem:$0x1E6A0] =	vst v63  }
0x1a: {  	_ =	swait.ge [sflag:s17], $0x68  }
0x1b: {  	[sflag:s17] =	ssyncset.done $0x0  }
0x1c: {  	[sflag:s17] =	ssyncadd.s32 $0xFFFFFF98  }
0x1d: {  	[tilespmem:s18], [sflag:$0x3] =	stream.linear.gather [hbm4b:s11+s4], $0x68, $0x38;
	[tilespmem:$0x1E6A0] =	vst v63  }
0x1e: {  	_ =	swait.ge [sflag:s17], $0x68  }
0x1f: {  	[sflag:s17] =	ssyncset.done $0x0  }
0x20: {  	[sflag:s17] =	ssyncadd.s32 $0xFFFFFF98  }
0x21: {  	[tilespmem:s20], [sflag:$0x1] =	stream.indirect.gather [hbm4b:s5+s19], $0x90, s4, s19, $0xb8;
	[tilespmem:$0x1E6A0] =	vst v63  }
0x22: {  	s31 =	simm.s32 $0x7220;
	s30 =	simm.s32 $0x0  }
0x23: {  	[tilespmem:s31], [sflag:$0x1] =	stream.indirect.gather [hbm4b:s6+s19], $0x10, s18, s19, $0xb8;
	[tilespmem:$0x1E6A0] =	vst v63  }
.LBB2_2:
0x24: {  	s31 =	sshll.u32 s30, $0x1  }
0x25: {  	s0 =	sadd.s32 s31, s12  }
0x26: {  	s0 =	smul.u32 $0xD, s0;
	_ =	sdelay $0x1  }
0x27: {  	s2 =	sadd.s32 s1, s0  }
0x28: {  	[tilespmem:s22], [sflag:$0x3] =	stream.linear.gather [hbm4b:s2+s4], $0x68, $0x38;
	[tilespmem:$0x1E6A0] =	vst v63  }
0x29: {  	_ =	swait.ge [sflag:s17], $0x68  }
0x2a: {  	[sflag:s17] =	ssyncset.done $0x0  }
0x2b: {  	s0 =	sadd.s32 s7, s0;
	[sflag:s17] =	ssyncadd.s32 $0xFFFFFF98  }
0x2c: {  	[tilespmem:s23], [sflag:$0x3] =	stream.linear.gather [hbm4b:s0+s4], $0x68, $0x38;
	[tilespmem:$0x1E6A0] =	vst v63  }
0x2d: {  	_ =	swait.ge [sflag:s17], $0x68  }
0x2e: {  	[sflag:s17] =	ssyncset.done $0x0  }
0x2f: {  	[sflag:s17] =	ssyncadd.s32 $0xFFFFFF98  }
0x30: {  	[tilespmem:s24], [sflag:$0x2] =	stream.indirect.gather [hbm4b:s5+s19], $0x90, s22, s19, $0xb8;
	[tilespmem:$0x1E6A0] =	vst v63  }
0x31: {  	_ = 	snop  }
0x32: {  	[tilespmem:s25], [sflag:$0x2] =	stream.indirect.gather [hbm4b:s6+s19], $0x10, s23, s19, $0xb8;
	[tilespmem:$0x1E6A0] =	vst v63  }
0x33: {  	_ =	swait.ge [sflag:s26], $0x3840  }
0x34: {  	[sflag:s26] =	ssyncset.done $0x0  }
0x35: {  	[sflag:s26] =	ssyncadd.s32 $0xFFFFC7C0  }
0x36: {  	_ =	swait.ge [sflag:s26], $0x640  }
0x37: {  	[sflag:s26] =	ssyncset.done $0x0  }
0x38: {  	s0 =	simm.s32 $0x2C0;
	[sflag:s26] =	ssyncadd.s32 $0xFFFFF9C0  }
0x39: {  	s2 =	simm.s32 $0x7240;
	v0 =	vld [tilespmem:s0+$0x110]  }
0x3a: {  	v1 =	vld [tilespmem:s2+$0x10];
	_ =	sdelay $0x1  }
0x3b: {  	v2 =	vld [tilespmem:s2+$0xFFFFFFE0]  }
0x3c: {  	v3 =	vld [tilespmem:s0+$0xFFFFFFF0]  }
0x3d: {  	v4 =	vld [tilespmem:s2+$0xFFFFFFF0]  }
0x3e: {  	v5 =	vld [tilespmem:s0+$0x80];
	v0 =	vadd.f32 v1, v0  }
0x3f: {  	v6 =	vld [tilespmem:s2+$0x0]  }
0x40: {  	v7 =	vld [tilespmem:s0+$0xFFFFFF60];
	v1 =	vmul.f32 $2.000000030e-01, v0  }
0x41: {  	v8 =	vld [tilespmem:s0+$0xFFFFFEE0];
	vm0 =	vge.f32 v0, $0.0e+00  }
0x42: {  	v9 =	vld [tilespmem:s0+$0xFFFFFEF0];
	v0 =	vsel vm0, v0, v1  }
0x43: {  	v10 =	vld [tilespmem:s0+$0xFFFFFF00];
	v3 =	vadd.f32 v4, v3;
	v0 =	vmul.f32 $1.442695020e+00, v0  }
0x44: {  	v12 =	vld [tilespmem:s0+$0xFFFFFF40];
	v1 =	vadd.f32 v6, v5  }
0x45: {  	v13 =	vld [tilespmem:s0+$0xFFFFFF90];
	v2 =	vadd.f32 v2, v7;
	v6 =	vmul.f32 $2.000000030e-01, v3;
	(erf) = vpow2.f32 v0  }
0x46: {  	v14 =	vld [tilespmem:s0+$0xFFFFFFB0];
	vm14 =	vge.f32 v3, $0.0e+00;
	v11 =	vmul.f32 $2.000000030e-01, v1  }
0x47: {  	v15 =	vld [tilespmem:s0+$0xFFFFFFC0];
	vm1 =	vge.f32 v1, $0.0e+00;
	v3 =	vsel vm14, v3, v6;
	v0 =	vmul.f32 $2.000000030e-01, v2  }
0x48: {  	v17 =	vld [tilespmem:s0+$0xFFFFFFD0];
	vm15 =	vge.f32 v2, $0.0e+00;
	v3 =	vmul.f32 $1.442695020e+00, v3;
	v1 =	vsel vm1, v1, v11  }
0x49: {  	v18 =	vld [tilespmem:s0+$0xFFFFFFE0];
	v0 =	vsel vm15, v2, v0;
	v1 =	vmul.f32 $1.442695020e+00, v1  }
0x4a: {  	(erf) = vpow2.f32 v3;
	v3 =	vld [tilespmem:s0+$0x100];
	v0 =	vmul.f32 $1.442695020e+00, v0  }
0x4b: {  	v19 =	vld [tilespmem:s0+$0x0];
	(erf) = vpow2.f32 v1  }
0x4c: {  	v20 =	vld [tilespmem:s0+$0x10];
	(erf) = vpow2.f32 v0  }
0x4d: {  	v21 =	vld [tilespmem:s0+$0x20]  }
0x4e: {  	v11 =	vld [tilespmem:s0+$0xFFFFFF70];
	v1 =	vpop (erf)  }
0x4f: {  	v2 =	vld [tilespmem:s0+$0xFFFFFF80];
	v3 =	vmul.f32 v3, v1  }
0x50: {  	v0 =	vld [tilespmem:s0+$0xFFFFFFA0]  }
0x51: {  	v23 =	vld [tilespmem:s0+$0x30]  }
0x52: {  	v4 =	vld [tilespmem:s0+$0xFFFFFF10];
	[tilespmem:s0+$0x110] =	vst v1  }
0x53: {  	v5 =	vld [tilespmem:s0+$0xFFFFFF20];
	[tilespmem:s0+$0x100] =	vst v3;
	v3 =	vpop (erf)  }
0x54: {  	v7 =	vld [tilespmem:s0+$0xFFFFFF30];
	v11 =	vmul.f32 v3, v11;
	v16 =	vmul.f32 v3, v2;
	[tilespmem:s0+$0xFFFFFFF0] =	vst v3;
	v22 =	vpop (erf)  }
0x55: {  	v25 =	vld [tilespmem:s0+$0x50];
	v24 =	vmul.f32 v3, v13;
	v2 =	vmul.f32 v0, v3;
	[tilespmem:s0+$0x80] =	vst v22;
	v0 =	vpop (erf)  }
0x56: {  	v26 =	vld [tilespmem:s0+$0x60];
	v13 =	vmul.f32 v22, v19;
	v8 =	vmul.f32 v0, v8;
	[tilespmem:s0+$0xFFFFFF70] =	vst v11  }
0x57: {  	v6 =	vld [tilespmem:s0+$0xFFFFFF50];
	v9 =	vmul.f32 v0, v9;
	v10 =	vmul.f32 v0, v10;
	[tilespmem:s0+$0xFFFFFF80] =	vst v16  }
0x58: {  	v29 =	vld [tilespmem:s0+$0x70];
	v4 =	vmul.f32 v4, v0;
	v5 =	vmul.f32 v5, v0;
	[tilespmem:s0+$0xFFFFFF90] =	vst v24  }
0x59: {  	v30 =	vld [tilespmem:s0+$0x90];
	v7 =	vmul.f32 v7, v0;
	v27 =	vmul.f32 v12, v0;
	[tilespmem:s0+$0xFFFFFEE0] =	vst v8  }
0x5a: {  	v11 =	vld [tilespmem:s0+$0x40];
	v16 =	vmul.f32 v14, v3;
	v12 =	vmul.f32 v15, v3;
	[tilespmem:s0+$0xFFFFFEF0] =	vst v9  }
0x5b: {  	v15 =	vmul.f32 v17, v3;
	[tilespmem:s0+$0xFFFFFF00] =	vst v10;
	v10 =	vmul.f32 v18, v3;
	v3 =	vld [tilespmem:s0+$0xA0]  }
0x5c: {  	v28 =	vmul.f32 v6, v0;
	v17 =	vld [tilespmem:s0+$0xB0];
	v14 =	vmul.f32 v22, v21;
	[tilespmem:s0+$0xFFFFFF10] =	vst v4  }
0x5d: {  	v6 =	vmul.f32 v25, v22;
	[tilespmem:s0+$0xFFFFFF20] =	vst v5;
	v8 =	vmul.f32 v22, v20;
	v18 =	vld [tilespmem:s0+$0xC0]  }
0x5e: {  	v19 =	vld [tilespmem:s0+$0xD0];
	[tilespmem:s0+$0xFFFFFF30] =	vst v7;
	v9 =	vmul.f32 v23, v22;
	v7 =	vmul.f32 v26, v22  }
0x5f: {  	[tilespmem:s0+$0xFFFFFF40] =	vst v27;
	v4 =	vmul.f32 v29, v22;
	v20 =	vld [tilespmem:s0+$0xE0];
	v5 =	vmul.f32 v1, v30  }
0x60: {  	s21 =	simm.s32 $0x0;
	s8 =	simm.s32 $0x500;
	v21 =	vld [tilespmem:s0+$0xF0];
	[tilespmem:s0+$0xFFFFFF50] =	vst v28;
	v11 =	vmul.f32 v11, v22;
	v3 =	vmul.f32 v1, v3  }
.LBB2_3:
0x61: {  	v22 =	vld [tilespmem:s8+$0x110];
	[tilespmem:s0+$0xFFFFFFA0] =	vst v2;
	v2 =	vmul.f32 v1, v17;
	s2 =	sadd.s32 $0x40, s2  }
0x62: {  	s21 =	sadd.s32 $0x4, s21;
	v17 =	vld [tilespmem:s2+$0x10];
	[tilespmem:s0+$0xFFFFFFB0] =	vst v16;
	v16 =	vmul.f32 v18, v1  }
0x63: {  	p0 =	slt.u32 s21, $0x60;
	v18 =	vld [tilespmem:s2+$0xFFFFFFE0];
	[tilespmem:s0+$0xFFFFFFC0] =	vst v12;
	v12 =	vmul.f32 v19, v1  }
0x64: {  	v19 =	vld [tilespmem:s8+$0xFFFFFFF0];
	[tilespmem:s0+$0xFFFFFFD0] =	vst v15;
	v15 =	vmul.f32 v20, v1  }
0x65: {  	v20 =	vld [tilespmem:s2+$0xFFFFFFF0];
	[tilespmem:s0+$0xFFFFFFE0] =	vst v10;
	v1 =	vmul.f32 v21, v1  }
0x66: {  	v10 =	vld [tilespmem:s8+$0x80];
	[tilespmem:s0+$0x0] =	vst v13  }
0x67: {  	v13 =	vld [tilespmem:s2+$0x0];
	v17 =	vadd.f32 v17, v22;
	[tilespmem:s0+$0x10] =	vst v8  }
0x68: {  	v8 =	vld [tilespmem:s8+$0xFFFFFF60];
	[tilespmem:s0+$0x20] =	vst v14  }
0x69: {  	v14 =	vld [tilespmem:s8+$0xFFFFFEE0];
	v21 =	vmul.f32 $2.000000030e-01, v17;
	[tilespmem:s0+$0x30] =	vst v9  }
0x6a: {  	vm0 =	vge.f32 v17, $0.0e+00;
	v9 =	vld [tilespmem:s8+$0xFFFFFEF0];
	v19 =	vadd.f32 v20, v19;
	[tilespmem:s0+$0x40] =	vst v11  }
0x6b: {  	v11 =	vld [tilespmem:s8+$0xFFFFFF00];
	v17 =	vsel vm0, v17, v21;
	[tilespmem:s0+$0x50] =	vst v6  }
0x6c: {  	v6 =	vld [tilespmem:s8+$0xFFFFFF10];
	v20 =	vmul.f32 $2.000000030e-01, v19;
	v10 =	vadd.f32 v13, v10;
	v13 =	vmul.f32 $1.442695020e+00, v17;
	[tilespmem:s0+$0x60] =	vst v7  }
0x6d: {  	vm0 =	vge.f32 v19, $0.0e+00;
	v7 =	vadd.f32 v18, v8;
	v8 =	vld [tilespmem:s8+$0xFFFFFF20];
	[tilespmem:s0+$0x70] =	vst v4  }
0x6e: {  	v4 =	vld [tilespmem:s8+$0xFFFFFF30];
	vm1 =	vge.f32 v10, $0.0e+00;
	v17 =	vmul.f32 $2.000000030e-01, v10;
	(erf) = vpow2.f32 v13;
	[tilespmem:s0+$0x90] =	vst v5  }
0x6f: {  	v18 =	vsel vm0, v19, v20;
	vm2 =	vge.f32 v7, $0.0e+00;
	v5 =	vmul.f32 $2.000000030e-01, v7;
	v13 =	vld [tilespmem:s8+$0xFFFFFF40];
	[tilespmem:s0+$0xA0] =	vst v3  }
0x70: {  	v18 =	vmul.f32 $1.442695020e+00, v18;
	v3 =	vld [tilespmem:s8+$0xFFFFFF50];
	v10 =	vsel vm1, v10, v17;
	[tilespmem:s0+$0xB0] =	vst v2  }
0x71: {  	v2 =	vsel vm2, v7, v5;
	v5 =	vld [tilespmem:s8+$0xFFFFFF70];
	v7 =	vmul.f32 $1.442695020e+00, v10;
	[tilespmem:s0+$0xC0] =	vst v16  }
0x72: {  	v2 =	vmul.f32 $1.442695020e+00, v2;
	v10 =	vld [tilespmem:s8+$0xFFFFFF80];
	(erf) = vpow2.f32 v18;
	[tilespmem:s0+$0xD0] =	vst v12  }
0x73: {  	v12 =	vld [tilespmem:s8+$0x100];
	(erf) = vpow2.f32 v7;
	[tilespmem:s0+$0xE0] =	vst v15  }
0x74: {  	v7 =	vld [tilespmem:s8+$0xFFFFFF90];
	(erf) = vpow2.f32 v2;
	[tilespmem:s0+$0xF0] =	vst v1  }
0x75: {  	v2 =	vld [tilespmem:s8+$0xFFFFFFA0];
	[tilespmem:s0+$0xFFFFFF60] =	vst v0;
	s0 =	smov.u32 s8  }
0x76: {  	v15 =	vld [tilespmem:s8+$0xFFFFFFB0]  }
0x77: {  	v17 =	vld [tilespmem:s8+$0xFFFFFFC0];
	v1 =	vpop (erf)  }
0x78: {  	v18 =	vld [tilespmem:s8+$0xFFFFFFD0];
	v0 =	vmul.f32 v12, v1;
	[tilespmem:s8+$0x110] =	vst v1  }
0x79: {  	v19 =	vld [tilespmem:s8+$0xFFFFFFE0]  }
0x7a: {  	v20 =	vld [tilespmem:s8+$0x0];
	[tilespmem:s8+$0x100] =	vst v0  }
0x7b: {  	v21 =	vld [tilespmem:s8+$0x10];
	v22 =	vpop (erf)  }
0x7c: {  	v5 =	vmul.f32 v22, v5;
	v10 =	vmul.f32 v22, v10;
	[tilespmem:s8+$0xFFFFFFF0] =	vst v22;
	v23 =	vld [tilespmem:s8+$0x20];
	v24 =	vpop (erf)  }
0x7d: {  	v25 =	vmul.f32 v22, v7;
	v2 =	vmul.f32 v2, v22;
	v7 =	vld [tilespmem:s8+$0x30];
	[tilespmem:s8+$0x80] =	vst v24;
	v0 =	vpop (erf)  }
0x7e: {  	v12 =	vmul.f32 v0, v14;
	v9 =	vmul.f32 v0, v9;
	[tilespmem:s8+$0xFFFFFF70] =	vst v5;
	v5 =	vld [tilespmem:s8+$0x40]  }
0x7f: {  	v11 =	vmul.f32 v0, v11;
	v6 =	vmul.f32 v6, v0;
	[tilespmem:s8+$0xFFFFFF80] =	vst v10;
	v26 =	vld [tilespmem:s8+$0x50]  }
0x80: {  	v8 =	vmul.f32 v8, v0;
	v4 =	vmul.f32 v4, v0;
	[tilespmem:s8+$0xFFFFFEE0] =	vst v12;
	v27 =	vld [tilespmem:s8+$0x60]  }
0x81: {  	v28 =	vmul.f32 v13, v0;
	v3 =	vmul.f32 v3, v0;
	[tilespmem:s8+$0xFFFFFEF0] =	vst v9;
	v29 =	vld [tilespmem:s8+$0x70]  }
0x82: {  	v16 =	vmul.f32 v15, v22;
	v12 =	vmul.f32 v17, v22;
	[tilespmem:s8+$0xFFFFFF00] =	vst v11;
	v30 =	vld [tilespmem:s8+$0x90]  }
0x83: {  	v15 =	vmul.f32 v18, v22;
	v10 =	vmul.f32 v19, v22;
	[tilespmem:s8+$0xFFFFFF10] =	vst v6;
	v22 =	vld [tilespmem:s8+$0xA0]  }
.Ltmp0:
0x84: {  	v13 =	vmul.f32 v24, v20;
	[tilespmem:s8+$0xFFFFFF20] =	vst v8;
	v8 =	vmul.f32 v24, v21;
	v17 =	vld [tilespmem:s8+$0xB0];
	(pc) =	sbr.rel @p0 .LBB2_3-.Ltmp0, $4  }
0x85: {  	v14 =	vmul.f32 v24, v23;
	v9 =	vmul.f32 v7, v24;
	[tilespmem:s8+$0xFFFFFF30] =	vst v4;
	v18 =	vld [tilespmem:s8+$0xC0]  }
0x86: {  	v11 =	vmul.f32 v5, v24;
	v6 =	vmul.f32 v26, v24;
	[tilespmem:s8+$0xFFFFFF40] =	vst v28;
	v19 =	vld [tilespmem:s8+$0xD0]  }
0x87: {  	v7 =	vmul.f32 v27, v24;
	v4 =	vmul.f32 v29, v24;
	[tilespmem:s8+$0xFFFFFF50] =	vst v3;
	v20 =	vld [tilespmem:s8+$0xE0]  }
0x88: {  	v5 =	vmul.f32 v1, v30;
	s8 =	sadd.s32 $0x240, s8;
	[tilespmem:s0+$0xFFFFFF90] =	vst v25;
	v3 =	vmul.f32 v1, v22;
	v21 =	vld [tilespmem:s0+$0xF0]  }
0x89: {  	[tilespmem:s0+$0xFFFFFFA0] =	vst v2  }
0x8a: {  	[tilespmem:s0+$0xFFFFFFB0] =	vst v16  }
0x8b: {  	[tilespmem:s0+$0xFFFFFFC0] =	vst v12  }
0x8c: {  	[tilespmem:s0+$0xFFFFFFD0] =	vst v15  }
0x8d: {  	[tilespmem:s0+$0xFFFFFFE0] =	vst v10  }
0x8e: {  	[tilespmem:s0+$0x0] =	vst v13  }
0x8f: {  	[tilespmem:s0+$0x10] =	vst v8  }
0x90: {  	[tilespmem:s0+$0x20] =	vst v14  }
0x91: {  	[tilespmem:s0+$0x30] =	vst v9  }
0x92: {  	[tilespmem:s0+$0x40] =	vst v11  }
0x93: {  	[tilespmem:s0+$0x50] =	vst v6  }
0x94: {  	[tilespmem:s0+$0x60] =	vst v7  }
0x95: {  	[tilespmem:s0+$0x70] =	vst v4  }
0x96: {  	[tilespmem:s0+$0xFFFFFF60] =	vst v0  }
0x97: {  	v2 =	vmul.f32 v1, v17;
	[tilespmem:s0+$0x90] =	vst v5  }
0x98: {  	v4 =	vmul.f32 v18, v1;
	[tilespmem:s0+$0xA0] =	vst v3  }
0x99: {  	v3 =	vmul.f32 v19, v1;
	[tilespmem:s0+$0xB0] =	vst v2  }
0x9a: {  	v2 =	vmul.f32 v20, v1;
	[tilespmem:s0+$0xC0] =	vst v4  }
0x9b: {  	v1 =	vmul.f32 v21, v1;
	[tilespmem:s0+$0xD0] =	vst v3  }
0x9c: {  	p0 =	seq.s32 s30, $0x31;
	[tilespmem:s0+$0xE0] =	vst v2  }
0x9d: {  	[tilespmem:s0+$0xF0] =	vst v1;
	s0 =	sadd.s32 @!p0 s31, s13  }
0x9e: {  	[spmem:s3] =	stream.indirect.scatter.add.f32 [tilespmem:s20], [sflag:$0x3], $0x90, s18, s19, $0xb8;
	[tilespmem:$0x1E6A0] =	vst v63  }
0x9f: {  	s0 =	smul.u32 @!p0 $0xD, s0;
	_ =	swait.ge [sflag:s17], $0x3840  }
0xa0: {  	[sflag:s17] =	ssyncset.done $0x0  }
0xa1: {  	s8 =	simm.s32 @!p0 $0x0;
	s2 =	sadd.s32 @!p0 s1, s0;
	[sflag:s17] =	ssyncadd.s32 $0xFFFFC7C0  }
0xa2: {  	[tilespmem:s8], [sflag:$0x3] =	stream.linear.gather @!p0 [hbm4b:s2+s8], $0x68, $0x38;
	[tilespmem:$0x1E6A0] =	vst v63  }
0xa3: {  	s2 =	simm.s32 @!p0 $0x3  }
0xa4: {  	_ =	swait.ge @!p0 [sflag:s2], $0x68  }
0xa5: {  	[sflag:s2] =	ssyncset.done @!p0 $0x0  }
0xa6: {  	s21 =	simm.s32 @!p0 $0xD0;
	s0 =	sadd.s32 @!p0 s7, s0;
	[sflag:s2] =	ssyncadd.s32 @!p0 $0xFFFFFF98  }
0xa7: {  	[tilespmem:s21], [sflag:$0x3] =	stream.linear.gather @!p0 [hbm4b:s0+s8], $0x68, $0x38;
	[tilespmem:$0x1E6A0] =	vst v63  }
0xa8: {  	_ =	swait.ge @!p0 [sflag:s2], $0x68  }
0xa9: {  	[sflag:s2] =	ssyncset.done @!p0 $0x0  }
0xaa: {  	s0 =	simm.s32 @!p0 $0x64;
	[sflag:s2] =	ssyncadd.s32 @!p0 $0xFFFFFF98;
	s2 =	simm.s32 @!p0 $0x1A0  }
0xab: {  	[tilespmem:s2], [sflag:$0x1] =	stream.indirect.gather @!p0 [hbm4b:s5+s0], $0x90, s8, s0, $0xb8;
	[tilespmem:$0x1E6A0] =	vst v63  }
0xac: {  	s2 =	simm.s32 @!p0 $0x7220  }
0xad: {  	[tilespmem:s2], [sflag:$0x1] =	stream.indirect.gather @!p0 [hbm4b:s6+s0], $0x10, s21, s0, $0xb8;
	[tilespmem:$0x1E6A0] =	vst v63  }
0xae: {  	_ =	swait.ge [sflag:s28], $0x3840  }
0xaf: {  	[sflag:s28] =	ssyncset.done $0x0  }
0xb0: {  	[sflag:s28] =	ssyncadd.s32 $0xFFFFC7C0  }
0xb1: {  	_ =	swait.ge [sflag:s28], $0x640  }
0xb2: {  	[sflag:s28] =	ssyncset.done $0x0  }
0xb3: {  	s0 =	simm.s32 $0x3B00;
	[sflag:s28] =	ssyncadd.s32 $0xFFFFF9C0  }
0xb4: {  	s2 =	simm.s32 $0x7880;
	v0 =	vld [tilespmem:s0+$0x110]  }
0xb5: {  	v1 =	vld [tilespmem:s2+$0x10];
	_ =	sdelay $0x1  }
0xb6: {  	v2 =	vld [tilespmem:s2+$0xFFFFFFE0]  }
0xb7: {  	v3 =	vld [tilespmem:s0+$0xFFFFFFF0]  }
0xb8: {  	v4 =	vld [tilespmem:s2+$0xFFFFFFF0]  }
0xb9: {  	v5 =	vld [tilespmem:s0+$0x80];
	v0 =	vadd.f32 v1, v0  }
0xba: {  	v6 =	vld [tilespmem:s2+$0x0]  }
0xbb: {  	v7 =	vld [tilespmem:s0+$0xFFFFFF60];
	v1 =	vmul.f32 $2.000000030e-01, v0  }
0xbc: {  	v8 =	vld [tilespmem:s0+$0xFFFFFEE0];
	vm0 =	vge.f32 v0, $0.0e+00  }
0xbd: {  	v9 =	vld [tilespmem:s0+$0xFFFFFEF0];
	v0 =	vsel vm0, v0, v1  }
0xbe: {  	v10 =	vld [tilespmem:s0+$0xFFFFFF00];
	v3 =	vadd.f32 v4, v3;
	v0 =	vmul.f32 $1.442695020e+00, v0  }
0xbf: {  	v12 =	vld [tilespmem:s0+$0xFFFFFF40];
	v1 =	vadd.f32 v6, v5  }
0xc0: {  	v13 =	vld [tilespmem:s0+$0xFFFFFF90];
	v2 =	vadd.f32 v2, v7;
	v6 =	vmul.f32 $2.000000030e-01, v3;
	(erf) = vpow2.f32 v0  }
0xc1: {  	v14 =	vld [tilespmem:s0+$0xFFFFFFB0];
	vm14 =	vge.f32 v3, $0.0e+00;
	v11 =	vmul.f32 $2.000000030e-01, v1  }
0xc2: {  	v15 =	vld [tilespmem:s0+$0xFFFFFFC0];
	vm1 =	vge.f32 v1, $0.0e+00;
	v3 =	vsel vm14, v3, v6;
	v0 =	vmul.f32 $2.000000030e-01, v2  }
0xc3: {  	v17 =	vld [tilespmem:s0+$0xFFFFFFD0];
	vm15 =	vge.f32 v2, $0.0e+00;
	v3 =	vmul.f32 $1.442695020e+00, v3;
	v1 =	vsel vm1, v1, v11  }
0xc4: {  	v18 =	vld [tilespmem:s0+$0xFFFFFFE0];
	v0 =	vsel vm15, v2, v0;
	v1 =	vmul.f32 $1.442695020e+00, v1  }
0xc5: {  	(erf) = vpow2.f32 v3;
	v3 =	vld [tilespmem:s0+$0x100];
	v0 =	vmul.f32 $1.442695020e+00, v0  }
0xc6: {  	v19 =	vld [tilespmem:s0+$0x0];
	(erf) = vpow2.f32 v1  }
0xc7: {  	v20 =	vld [tilespmem:s0+$0x10];
	(erf) = vpow2.f32 v0  }
0xc8: {  	v21 =	vld [tilespmem:s0+$0x20]  }
0xc9: {  	v11 =	vld [tilespmem:s0+$0xFFFFFF70];
	v1 =	vpop (erf)  }
0xca: {  	v2 =	vld [tilespmem:s0+$0xFFFFFF80];
	v3 =	vmul.f32 v3, v1  }
0xcb: {  	v0 =	vld [tilespmem:s0+$0xFFFFFFA0]  }
0xcc: {  	v23 =	vld [tilespmem:s0+$0x30]  }
0xcd: {  	v4 =	vld [tilespmem:s0+$0xFFFFFF10];
	[tilespmem:s0+$0x110] =	vst v1  }
0xce: {  	v5 =	vld [tilespmem:s0+$0xFFFFFF20];
	[tilespmem:s0+$0x100] =	vst v3;
	v3 =	vpop (erf)  }
0xcf: {  	v7 =	vld [tilespmem:s0+$0xFFFFFF30];
	v11 =	vmul.f32 v3, v11;
	v16 =	vmul.f32 v3, v2;
	[tilespmem:s0+$0xFFFFFFF0] =	vst v3;
	v22 =	vpop (erf)  }
0xd0: {  	v25 =	vld [tilespmem:s0+$0x50];
	v24 =	vmul.f32 v3, v13;
	v2 =	vmul.f32 v0, v3;
	[tilespmem:s0+$0x80] =	vst v22;
	v0 =	vpop (erf)  }
0xd1: {  	v26 =	vld [tilespmem:s0+$0x60];
	v13 =	vmul.f32 v22, v19;
	v8 =	vmul.f32 v0, v8;
	[tilespmem:s0+$0xFFFFFF70] =	vst v11  }
0xd2: {  	v6 =	vld [tilespmem:s0+$0xFFFFFF50];
	v9 =	vmul.f32 v0, v9;
	v10 =	vmul.f32 v0, v10;
	[tilespmem:s0+$0xFFFFFF80] =	vst v16  }
0xd3: {  	v29 =	vld [tilespmem:s0+$0x70];
	v4 =	vmul.f32 v4, v0;
	v5 =	vmul.f32 v5, v0;
	[tilespmem:s0+$0xFFFFFF90] =	vst v24  }
0xd4: {  	v30 =	vld [tilespmem:s0+$0x90];
	v7 =	vmul.f32 v7, v0;
	v27 =	vmul.f32 v12, v0;
	[tilespmem:s0+$0xFFFFFEE0] =	vst v8  }
0xd5: {  	v11 =	vld [tilespmem:s0+$0x40];
	v16 =	vmul.f32 v14, v3;
	v12 =	vmul.f32 v15, v3;
	[tilespmem:s0+$0xFFFFFEF0] =	vst v9  }
0xd6: {  	v15 =	vmul.f32 v17, v3;
	[tilespmem:s0+$0xFFFFFF00] =	vst v10;
	v10 =	vmul.f32 v18, v3;
	v3 =	vld [tilespmem:s0+$0xA0]  }
0xd7: {  	v28 =	vmul.f32 v6, v0;
	v17 =	vld [tilespmem:s0+$0xB0];
	v14 =	vmul.f32 v22, v21;
	[tilespmem:s0+$0xFFFFFF10] =	vst v4  }
0xd8: {  	v6 =	vmul.f32 v25, v22;
	[tilespmem:s0+$0xFFFFFF20] =	vst v5;
	v8 =	vmul.f32 v22, v20;
	v18 =	vld [tilespmem:s0+$0xC0]  }
0xd9: {  	v19 =	vld [tilespmem:s0+$0xD0];
	[tilespmem:s0+$0xFFFFFF30] =	vst v7;
	v9 =	vmul.f32 v23, v22;
	v7 =	vmul.f32 v26, v22  }
0xda: {  	[tilespmem:s0+$0xFFFFFF40] =	vst v27;
	v4 =	vmul.f32 v29, v22;
	v20 =	vld [tilespmem:s0+$0xE0];
	v5 =	vmul.f32 v1, v30  }
0xdb: {  	s8 =	simm.s32 $0x3D40;
	s21 =	simm.s32 $0x0;
	v21 =	vld [tilespmem:s0+$0xF0];
	[tilespmem:s0+$0xFFFFFF50] =	vst v28;
	v11 =	vmul.f32 v11, v22;
	v3 =	vmul.f32 v1, v3  }
.LBB2_5:
0xdc: {  	v22 =	vld [tilespmem:s8+$0x110];
	[tilespmem:s0+$0xFFFFFFA0] =	vst v2;
	v2 =	vmul.f32 v1, v17;
	s2 =	sadd.s32 $0x40, s2  }
0xdd: {  	s21 =	sadd.s32 $0x4, s21;
	v17 =	vld [tilespmem:s2+$0x10];
	[tilespmem:s0+$0xFFFFFFB0] =	vst v16;
	v16 =	vmul.f32 v18, v1  }
0xde: {  	p0 =	slt.u32 s21, $0x60;
	v18 =	vld [tilespmem:s2+$0xFFFFFFE0];
	[tilespmem:s0+$0xFFFFFFC0] =	vst v12;
	v12 =	vmul.f32 v19, v1  }
0xdf: {  	v19 =	vld [tilespmem:s8+$0xFFFFFFF0];
	[tilespmem:s0+$0xFFFFFFD0] =	vst v15;
	v15 =	vmul.f32 v20, v1  }
0xe0: {  	v20 =	vld [tilespmem:s2+$0xFFFFFFF0];
	[tilespmem:s0+$0xFFFFFFE0] =	vst v10;
	v1 =	vmul.f32 v21, v1  }
0xe1: {  	v10 =	vld [tilespmem:s8+$0x80];
	[tilespmem:s0+$0x0] =	vst v13  }
0xe2: {  	v13 =	vld [tilespmem:s2+$0x0];
	v17 =	vadd.f32 v17, v22;
	[tilespmem:s0+$0x10] =	vst v8  }
0xe3: {  	v8 =	vld [tilespmem:s8+$0xFFFFFF60];
	[tilespmem:s0+$0x20] =	vst v14  }
0xe4: {  	v14 =	vld [tilespmem:s8+$0xFFFFFEE0];
	v21 =	vmul.f32 $2.000000030e-01, v17;
	[tilespmem:s0+$0x30] =	vst v9  }
0xe5: {  	vm0 =	vge.f32 v17, $0.0e+00;
	v9 =	vld [tilespmem:s8+$0xFFFFFEF0];
	v19 =	vadd.f32 v20, v19;
	[tilespmem:s0+$0x40] =	vst v11  }
0xe6: {  	v11 =	vld [tilespmem:s8+$0xFFFFFF00];
	v17 =	vsel vm0, v17, v21;
	[tilespmem:s0+$0x50] =	vst v6  }
0xe7: {  	v6 =	vld [tilespmem:s8+$0xFFFFFF10];
	v20 =	vmul.f32 $2.000000030e-01, v19;
	v10 =	vadd.f32 v13, v10;
	v13 =	vmul.f32 $1.442695020e+00, v17;
	[tilespmem:s0+$0x60] =	vst v7  }
0xe8: {  	vm0 =	vge.f32 v19, $0.0e+00;
	v7 =	vadd.f32 v18, v8;
	v8 =	vld [tilespmem:s8+$0xFFFFFF20];
	[tilespmem:s0+$0x70] =	vst v4  }
0xe9: {  	v4 =	vld [tilespmem:s8+$0xFFFFFF30];
	vm1 =	vge.f32 v10, $0.0e+00;
	v17 =	vmul.f32 $2.000000030e-01, v10;
	(erf) = vpow2.f32 v13;
	[tilespmem:s0+$0x90] =	vst v5  }
0xea: {  	v18 =	vsel vm0, v19, v20;
	vm2 =	vge.f32 v7, $0.0e+00;
	v5 =	vmul.f32 $2.000000030e-01, v7;
	v13 =	vld [tilespmem:s8+$0xFFFFFF40];
	[tilespmem:s0+$0xA0] =	vst v3  }
0xeb: {  	v18 =	vmul.f32 $1.442695020e+00, v18;
	v3 =	vld [tilespmem:s8+$0xFFFFFF50];
	v10 =	vsel vm1, v10, v17;
	[tilespmem:s0+$0xB0] =	vst v2  }
0xec: {  	v2 =	vsel vm2, v7, v5;
	v5 =	vld [tilespmem:s8+$0xFFFFFF70];
	v7 =	vmul.f32 $1.442695020e+00, v10;
	[tilespmem:s0+$0xC0] =	vst v16  }
0xed: {  	v2 =	vmul.f32 $1.442695020e+00, v2;
	v10 =	vld [tilespmem:s8+$0xFFFFFF80];
	(erf) = vpow2.f32 v18;
	[tilespmem:s0+$0xD0] =	vst v12  }
0xee: {  	v12 =	vld [tilespmem:s8+$0x100];
	(erf) = vpow2.f32 v7;
	[tilespmem:s0+$0xE0] =	vst v15  }
0xef: {  	v7 =	vld [tilespmem:s8+$0xFFFFFF90];
	(erf) = vpow2.f32 v2;
	[tilespmem:s0+$0xF0] =	vst v1  }
0xf0: {  	v2 =	vld [tilespmem:s8+$0xFFFFFFA0];
	[tilespmem:s0+$0xFFFFFF60] =	vst v0;
	s0 =	smov.u32 s8  }
0xf1: {  	v15 =	vld [tilespmem:s8+$0xFFFFFFB0]  }
0xf2: {  	v17 =	vld [tilespmem:s8+$0xFFFFFFC0];
	v1 =	vpop (erf)  }
0xf3: {  	v18 =	vld [tilespmem:s8+$0xFFFFFFD0];
	v0 =	vmul.f32 v12, v1;
	[tilespmem:s8+$0x110] =	vst v1  }
0xf4: {  	v19 =	vld [tilespmem:s8+$0xFFFFFFE0]  }
0xf5: {  	v20 =	vld [tilespmem:s8+$0x0];
	[tilespmem:s8+$0x100] =	vst v0  }
0xf6: {  	v21 =	vld [tilespmem:s8+$0x10];
	v22 =	vpop (erf)  }
0xf7: {  	v5 =	vmul.f32 v22, v5;
	v10 =	vmul.f32 v22, v10;
	[tilespmem:s8+$0xFFFFFFF0] =	vst v22;
	v23 =	vld [tilespmem:s8+$0x20];
	v24 =	vpop (erf)  }
0xf8: {  	v25 =	vmul.f32 v22, v7;
	v2 =	vmul.f32 v2, v22;
	v7 =	vld [tilespmem:s8+$0x30];
	[tilespmem:s8+$0x80] =	vst v24;
	v0 =	vpop (erf)  }
0xf9: {  	v12 =	vmul.f32 v0, v14;
	v9 =	vmul.f32 v0, v9;
	[tilespmem:s8+$0xFFFFFF70] =	vst v5;
	v5 =	vld [tilespmem:s8+$0x40]  }
0xfa: {  	v11 =	vmul.f32 v0, v11;
	v6 =	vmul.f32 v6, v0;
	[tilespmem:s8+$0xFFFFFF80] =	vst v10;
	v26 =	vld [tilespmem:s8+$0x50]  }
0xfb: {  	v8 =	vmul.f32 v8, v0;
	v4 =	vmul.f32 v4, v0;
	[tilespmem:s8+$0xFFFFFEE0] =	vst v12;
	v27 =	vld [tilespmem:s8+$0x60]  }
0xfc: {  	v28 =	vmul.f32 v13, v0;
	v3 =	vmul.f32 v3, v0;
	[tilespmem:s8+$0xFFFFFEF0] =	vst v9;
	v29 =	vld [tilespmem:s8+$0x70]  }
0xfd: {  	v16 =	vmul.f32 v15, v22;
	v12 =	vmul.f32 v17, v22;
	[tilespmem:s8+$0xFFFFFF00] =	vst v11;
	v30 =	vld [tilespmem:s8+$0x90]  }
0xfe: {  	v15 =	vmul.f32 v18, v22;
	v10 =	vmul.f32 v19, v22;
	[tilespmem:s8+$0xFFFFFF10] =	vst v6;
	v22 =	vld [tilespmem:s8+$0xA0]  }
.Ltmp1:
0xff: {  	v13 =	vmul.f32 v24, v20;
	[tilespmem:s8+$0xFFFFFF20] =	vst v8;
	v8 =	vmul.f32 v24, v21;
	v17 =	vld [tilespmem:s8+$0xB0];
	(pc) =	sbr.rel @p0 .LBB2_5-.Ltmp1, $4  }
0x100: {  	v14 =	vmul.f32 v24, v23;
	v9 =	vmul.f32 v7, v24;
	[tilespmem:s8+$0xFFFFFF30] =	vst v4;
	v18 =	vld [tilespmem:s8+$0xC0]  }
0x101: {  	v11 =	vmul.f32 v5, v24;
	v6 =	vmul.f32 v26, v24;
	[tilespmem:s8+$0xFFFFFF40] =	vst v28;
	v19 =	vld [tilespmem:s8+$0xD0]  }
0x102: {  	v7 =	vmul.f32 v27, v24;
	v4 =	vmul.f32 v29, v24;
	[tilespmem:s8+$0xFFFFFF50] =	vst v3;
	v20 =	vld [tilespmem:s8+$0xE0]  }
0x103: {  	v5 =	vmul.f32 v1, v30;
	s8 =	sadd.s32 $0x240, s8;
	[tilespmem:s0+$0xFFFFFF90] =	vst v25;
	v3 =	vmul.f32 v1, v22;
	v21 =	vld [tilespmem:s0+$0xF0]  }
0x104: {  	[tilespmem:s0+$0xFFFFFFA0] =	vst v2  }
0x105: {  	[tilespmem:s0+$0xFFFFFFB0] =	vst v16  }
0x106: {  	[tilespmem:s0+$0xFFFFFFC0] =	vst v12  }
0x107: {  	[tilespmem:s0+$0xFFFFFFD0] =	vst v15  }
0x108: {  	[tilespmem:s0+$0xFFFFFFE0] =	vst v10  }
0x109: {  	[tilespmem:s0+$0x0] =	vst v13  }
0x10a: {  	[tilespmem:s0+$0x10] =	vst v8  }
0x10b: {  	[tilespmem:s0+$0x20] =	vst v14  }
0x10c: {  	[tilespmem:s0+$0x30] =	vst v9  }
0x10d: {  	[tilespmem:s0+$0x40] =	vst v11  }
0x10e: {  	[tilespmem:s0+$0x50] =	vst v6  }
0x10f: {  	[tilespmem:s0+$0x60] =	vst v7  }
0x110: {  	[tilespmem:s0+$0x70] =	vst v4  }
0x111: {  	[tilespmem:s0+$0xFFFFFF60] =	vst v0  }
0x112: {  	v59 =	vmul.f32 v1, v17;
	[tilespmem:s0+$0x90] =	vst v5  }
0x113: {  	v60 =	vmul.f32 v18, v1;
	[tilespmem:s0+$0xA0] =	vst v3  }
0x114: {  	v61 =	vmul.f32 v19, v1;
	[tilespmem:s0+$0xB0] =	vst v59  }
0x115: {  	v62 =	vmul.f32 v20, v1;
	[tilespmem:s0+$0xC0] =	vst v60  }
0x116: {  	s30 =	sadd.s32 $0x1, s30;
	v63 =	vmul.f32 v21, v1;
	[tilespmem:s0+$0xD0] =	vst v61  }
0x117: {  	p0 =	sne.s32 s30, $0x32;
	[tilespmem:s0+$0xE0] =	vst v62  }
.Ltmp2:
0x118: {  	[tilespmem:s0+$0xF0] =	vst v63;
	(pc) =	sbr.rel @p0 .LBB2_2-.Ltmp2, $4  }
0x119: {  	[spmem:s3] =	stream.indirect.scatter.add.f32 [tilespmem:s24], [sflag:$0x3], $0x90, s23, s19, $0xb8;
	[tilespmem:$0x1E6A0] =	vst v63  }
0x11a: {  	_ =	swait.ge [sflag:s17], $0x3840  }
0x11b: {  	[sflag:s17] =	ssyncset.done $0x0  }
0x11c: {  	[sflag:s17] =	ssyncadd.s32 $0xFFFFC7C0  }
0x11d: {  	s29 =	sadd.s32 $0x1, s29  }
0x11e: {  	p0 =	sne.s32 s29, s15  }
.Ltmp3:
0x11f: {  	[bflag:$0x0] =	sbarrier.arrive $0xFFFF;
	(pc) =	sbr.rel @p0 .LBB2_1-.Ltmp3, $4  }
0x120: {  	[hbm:s14], [sflag:s9] =	dma.local [spmem:s16], $0x2D00  }
0x121: {  	_ =	swait.ge [sflag:s17], $0x2D00  }
0x122: {  	[sflag:s17] =	ssyncset.done $0x0  }
0x123: {  	[sflag:s17] =	ssyncadd.s32 $0xFFFFD300  }
0x124: {  	_ =	sfence.sel $0x180000  }
0x125: {  	[bflag:$0x0] =	sbarrier.arrive $0xFFFF  }
0x126: {  	_ =	strace $0x90000047  }
0x127: {  	s0 =	stileid.u32;
	[bflag:$0x2] =	sbarrier.arrive $0xFFFF  }
0x128: {  	p0 =	sne.s32 s0, $0x0;
	s0 =	rddreg [dreg:$0x3]  }
0x129: {  	s0 =	sadd.s32 @!p0 $0x100000, s0  }
0x12a: {  	[sflag:s0] =	ssyncadd.tile.s32 @!p0 $0x1;
	_ =	shalt  }
.Lfunc_end2:
_tile_overlayer_lowered:
.L_overlay_start_2:
0x12b: {  	(tag) =	ssettag $0x2  }
0x12c: {  	s0 =	rddreg [dreg:$0x0];
	s2 =	stileid.u32  }
0x12d: {  	s1 =	rddreg [dreg:$0x1];
	p0 =	sne.s32 s2, $0x0  }
0x12e: {  	s3 =	rddreg [dreg:$0x2];
	[bflag:$0x3] =	sbarrier.arrive $0xFFFF;
	s2 =	simm.s32 @!p0 $0x1C03  }
0x12f: {  	[timem:s3], [sflag:s2] =	dma.local @!p0 [hbm:s0], s1  }
0x130: {  	s0 =	simm.s32 @!p0 $0x3  }
0x131: {  	_ =	swait.ge @!p0 [sflag:s0], s1  }
0x132: {  	s1 =	ssub.s32 @!p0 $0x0, s1;
	[sflag:s0] =	ssyncset.done @!p0 $0x0  }
0x133: {  	[sflag:s0] =	ssyncadd.s32 @!p0 s1  }
0x134: {  	[bflag:$0x3] =	sbarrier.arrive $0xFFFF  }
0x135: {  	_ =	shalt  }

</sc_bundles>
